<compile_context>
chip_gen: v7x
topology: tpu7x:2x2x1
jax: 0.10.2.dev20260603
libtpu: 0.0.44.dev20260713+nightly
codegen_flags: <defaults>
</compile_context>

<pallas_src>
import functools

import jax
import jax.numpy as jnp
from jax import lax
from jax.experimental import pallas as pl
from jax.experimental.pallas import tpu as pltpu
from jax.experimental.pallas import tpu_sc as plsc

N_ROWS = 1000000
B_UPD = 16384
KK = 16
FF = 32
HH = 32
AA = 8

SC_NC = 2
SC_NS = 16
SC_NW = SC_NC * SC_NS

T_SWEEP = 8000
NT = N_ROWS // T_SWEEP
FL = T_SWEEP * AA // 128
T_UPD = 4096
CH = 128
B_PER_W = B_UPD // SC_NW

_NEG = -3.4028235e38
_IMAX = 2147483647


G = 16


def _sweep_body(v_ref, d_ref, s_ref, wv_ref, wd_ref, ws_ref, bh_ref,
                wo_ref, bo_ref, p_ref, logit_ref, mask_ref):
    v = v_ref[0]
    z = (jnp.dot(v, wv_ref[...], preferred_element_type=jnp.float32)
         + jnp.dot(d_ref[0], wd_ref[...], preferred_element_type=jnp.float32)
         + jnp.dot(s_ref[0], ws_ref[...], preferred_element_type=jnp.float32)
         + bh_ref[...])
    h = jnp.maximum(z, 0.0)
    logit_ref[0] = (
        jnp.dot(h, wo_ref[...], preferred_element_type=jnp.float32)
        + bo_ref[...])
    b = (v.astype(jnp.int32) == 2).astype(jnp.float32)
    mf = jnp.dot(b, p_ref[...], preferred_element_type=jnp.float32)
    mask_ref[0] = (mf > 0.5).astype(jnp.int8)


_sweep = pl.pallas_call(
    _sweep_body,
    grid=(NT,),
    in_specs=[
        pl.BlockSpec((1, FL, G * FF), lambda i: (i, 0, 0)),
        pl.BlockSpec((1, FL, G * KK * 3), lambda i: (i, 0, 0)),
        pl.BlockSpec((1, FL, G * KK), lambda i: (i, 0, 0)),
        pl.BlockSpec((G * FF, G * HH), lambda i: (0, 0)),
        pl.BlockSpec((G * KK * 3, G * HH), lambda i: (0, 0)),
        pl.BlockSpec((G * KK, G * HH), lambda i: (0, 0)),
        pl.BlockSpec((1, G * HH), lambda i: (0, 0)),
        pl.BlockSpec((G * HH, G * AA), lambda i: (0, 0)),
        pl.BlockSpec((1, G * AA), lambda i: (0, 0)),
        pl.BlockSpec((G * FF, G * AA), lambda i: (0, 0)),
    ],
    out_specs=[
        pl.BlockSpec((1, FL, 128), lambda i: (i, 0, 0)),
        pl.BlockSpec((1, FL, 128), lambda i: (i, 0, 0)),
    ],
    out_shape=[
        jax.ShapeDtypeStruct((NT, FL, 128), jnp.float32),
        jax.ShapeDtypeStruct((NT, FL, 128), jnp.int8),
    ],
)


def _upd_body(rows_ref, dk_ref, sk_ref, w_ref, bh_ref, wo_ref, bo_ref,
              out_ref):
    x = jnp.concatenate([rows_ref[...], dk_ref[...], sk_ref[...]], axis=1)
    z = jnp.dot(x, w_ref[...], preferred_element_type=jnp.float32)
    h = jnp.maximum(z + bh_ref[...], 0.0)
    out_ref[...] = (
        jnp.dot(h, wo_ref[...], preferred_element_type=jnp.float32)
        + bo_ref[...])


_upd = pl.pallas_call(
    _upd_body,
    grid=(B_UPD // T_UPD,),
    in_specs=[
        pl.BlockSpec((T_UPD, FF), lambda i: (i, 0)),
        pl.BlockSpec((T_UPD, KK * 3), lambda i: (i, 0)),
        pl.BlockSpec((T_UPD, KK), lambda i: (i, 0)),
        pl.BlockSpec((FF + KK * 3 + KK, HH), lambda i: (0, 0)),
        pl.BlockSpec((1, HH), lambda i: (0, 0)),
        pl.BlockSpec((HH, AA), lambda i: (0, 0)),
        pl.BlockSpec((1, AA), lambda i: (0, 0)),
    ],
    out_specs=[pl.BlockSpec((T_UPD, AA), lambda i: (i, 0))],
    out_shape=[jax.ShapeDtypeStruct((B_UPD, AA), jnp.float32)],
)


@functools.cache
def _sc_kernels():
    mesh = plsc.VectorSubcoreMesh(
        core_axis_name="c", subcore_axis_name="s",
        num_cores=SC_NC, num_subcores=SC_NS)

    @functools.partial(
        pl.kernel,
        out_type=jax.ShapeDtypeStruct((B_UPD, FF), jnp.float32),
        mesh=mesh,
        compiler_params=pltpu.CompilerParams(use_tc_tiling_on_sc=False),
        scratch_types=[
            pltpu.VMEM((CH,), jnp.int32),
            pltpu.VMEM((CH, FF), jnp.float32),
            pltpu.SemaphoreType.DMA,
        ],
    )
    def sc_gather(table_hbm, idx_hbm, out_hbm, idx_v, rows_v, sem):
        wid = lax.axis_index("s") * SC_NC + lax.axis_index("c")
        base = wid * B_PER_W
        for j in range(B_PER_W // CH):
            off = base + j * CH
            pltpu.sync_copy(idx_hbm.at[pl.ds(off, CH)], idx_v)
            pltpu.async_copy(table_hbm.at[idx_v], rows_v, sem).wait()
            pltpu.sync_copy(rows_v, out_hbm.at[pl.ds(off, CH)])

    @functools.partial(
        pl.kernel,
        out_type=(),
        mesh=mesh,
        compiler_params=pltpu.CompilerParams(use_tc_tiling_on_sc=False),
        scratch_types=[
            pltpu.VMEM((CH,), jnp.int32),
            pltpu.VMEM((CH, AA), jnp.float32),
            pltpu.SemaphoreType.DMA,
        ],
    )
    def sc_scatter(logits_hbm, idx_hbm, vals_hbm, idx_v, vals_v, sem):
        wid = lax.axis_index("s") * SC_NC + lax.axis_index("c")
        base = wid * B_PER_W
        for j in range(B_PER_W // CH):
            off = base + j * CH
            pltpu.sync_copy(idx_hbm.at[pl.ds(off, CH)], idx_v)
            pltpu.sync_copy(vals_hbm.at[pl.ds(off, CH)], vals_v)
            pltpu.async_copy(vals_v, logits_hbm.at[idx_v], sem).wait()

    return sc_gather, sc_scatter


def _fin_body(lg_ref, mk_ref, logp_ref, mp_ref, act_ref, fs, ii):
    p = pl.program_id(0)
    i = pl.program_id(1)

    @pl.when((p == 0) & (i == 0))
    def _():
        fs[0] = jnp.float32(_NEG)
        fs[1] = 0.0
        fs[2] = 0.0
        fs[3] = jnp.float32(_NEG)
        ii[0] = jnp.int32(_IMAX)

    l = lg_ref[...]
    ill = mk_ref[...] != 0

    @pl.when(p == 0)
    def _():
        m0 = fs[0]
        mn = jnp.maximum(m0, jnp.max(l))
        e = jnp.exp(l - mn)
        ts = jnp.sum(e)
        tsl = jnp.sum(jnp.where(ill, 0.0, e))
        scale = jnp.max(jnp.exp(jnp.full((8, 128), m0 - mn, jnp.float32)))
        fs[1] = fs[1] * scale + ts
        fs[2] = fs[2] * scale + tsl
        fs[0] = mn

        ml = jnp.where(ill, jnp.float32(_NEG), l)
        tb = jnp.max(ml)
        r = lax.broadcasted_iota(jnp.int32, (1, FL, 128), 1)
        c = lax.broadcasted_iota(jnp.int32, (1, FL, 128), 2)
        fi = (i * FL + r) * 128 + c
        tidx = jnp.min(jnp.where(ml == tb, fi, jnp.int32(_IMAX)))
        b0 = fs[3]
        i0 = ii[0]
        fs[3] = jnp.maximum(b0, tb)
        ii[0] = jnp.where(
            tb > b0, tidx,
            jnp.where(tb == b0, jnp.minimum(i0, tidx), i0))

    @pl.when(p == 1)
    def _():
        e = jnp.exp(l - fs[0])
        probs = e / fs[1]
        logp_ref[...] = jnp.where(ill, jnp.float32(-1e9),
                                  jnp.log(probs + 1e-8))
        mp_ref[...] = jnp.where(ill, 0.0, e / fs[2])

        @pl.when(i == 0)
        def _():
            act_ref[0, 0] = ii[0]


_fin = pl.pallas_call(
    _fin_body,
    grid=(2, NT),
    in_specs=[
        pl.BlockSpec((1, FL, 128), lambda p, i: (i, 0, 0)),
        pl.BlockSpec((1, FL, 128), lambda p, i: (i, 0, 0)),
    ],
    out_specs=[
        pl.BlockSpec((1, FL, 128), lambda p, i: (p * i, 0, 0)),
        pl.BlockSpec((1, FL, 128), lambda p, i: (p * i, 0, 0)),
        pl.BlockSpec(memory_space=pltpu.SMEM),
    ],
    out_shape=[
        jax.ShapeDtypeStruct((NT, FL, 128), jnp.float32),
        jax.ShapeDtypeStruct((NT, FL, 128), jnp.float32),
        jax.ShapeDtypeStruct((1, 1), jnp.int32),
    ],
    scratch_shapes=[
        pltpu.SMEM((4,), jnp.float32),
        pltpu.SMEM((1,), jnp.int32),
    ],
)


def kernel(V_features_local, diff_k_full, dist_k_full, vid_list, diff_k,
           dist_k, W_feat, W_diff, W_dist, b_hidden, W_out, b_out):
    dk_flat = diff_k.reshape(B_UPD, KK * 3)
    vid32 = vid_list.astype(jnp.int32)
    w_all = jnp.concatenate([W_feat, W_diff, W_dist], axis=0)
    bh2 = b_hidden.reshape(1, HH)
    bo2 = b_out.reshape(1, AA)

    vg = V_features_local.reshape(NT, FL, G * FF)
    dg = diff_k_full.reshape(NT, FL, G * KK * 3)
    sg = dist_k_full.reshape(NT, FL, G * KK)
    eye = jnp.eye(G, dtype=jnp.float32)
    wv = jnp.kron(eye, W_feat)
    wd = jnp.kron(eye, W_diff)
    ws = jnp.kron(eye, W_dist)
    wo = jnp.kron(eye, W_out)
    bh16 = jnp.tile(b_hidden, G).reshape(1, G * HH)
    bo16 = jnp.tile(b_out, G).reshape(1, G * AA)
    proj = jnp.kron(eye, jnp.eye(FF, AA, dtype=jnp.float32))

    sc_gather, sc_scatter = _sc_kernels()
    logits_f, mask_f = _sweep(vg, dg, sg, wv, wd, ws, bh16, wo, bo16, proj)
    rows = sc_gather(V_features_local, vid32)
    (new_logits,) = _upd(rows, dk_flat, dist_k, w_all, bh2, W_out, bo2)

    lref = jax.new_ref(logits_f.reshape(N_ROWS, AA))
    sc_scatter(lref, vid32, new_logits)
    logits1 = jax.freeze(lref)

    logp, mp, act = _fin(logits1.reshape(NT, FL, 128), mask_f)
    return (act.reshape(()), logp.reshape(-1), mp.reshape(-1))

# --- scband reference (transcript-rebuilt; emitter-appended) ---
"""Pipeline reference for scband-r-actor-38319698215649 (READ-ONLY COPY).

The authoritative reference and input builder live on the scoring server;
editing this copy changes nothing except your own understanding.
"""

import jax, jax.numpy as jnp
import numpy as np

N = 1000000
B = 16384
K = 16
F = 32
H = 32
A = 8

def setup_inputs(seed: int = 0) -> dict:
    key = jax.random.key(seed)
    ks = jax.random.split(key, 12)
    V_features_local = jax.random.normal(ks[0], (N, F), dtype=jnp.float32)
    diff_k_full = jax.random.normal(ks[1], (N, K, 3), dtype=jnp.float32)
    dist_k_full = jax.random.uniform(ks[2], (N, K), dtype=jnp.float32)
    vid_list = jax.random.randint(ks[3], (B,), 0, N)
    diff_k = jax.random.normal(ks[4], (B, K, 3), dtype=jnp.float32)
    dist_k = jax.random.uniform(ks[5], (B, K), dtype=jnp.float32)
    W_feat = jax.random.normal(ks[6], (F, H), dtype=jnp.float32) * 0.05
    W_diff = jax.random.normal(ks[7], (K * 3, H), dtype=jnp.float32) * 0.05
    W_dist = jax.random.normal(ks[8], (K, H), dtype=jnp.float32) * 0.05
    b_hidden = jnp.zeros((H,), dtype=jnp.float32)
    W_out = jax.random.normal(ks[9], (H, A), dtype=jnp.float32) * 0.05
    b_out = jnp.zeros((A,), dtype=jnp.float32)
    return {
        'V_features_local': V_features_local,
        'diff_k_full': diff_k_full,
        'dist_k_full': dist_k_full,
        'vid_list': vid_list,
        'diff_k': diff_k,
        'dist_k': dist_k,
        'W_feat': W_feat,
        'W_diff': W_diff,
        'W_dist': W_dist,
        'b_hidden': b_hidden,
        'W_out': W_out,
        'b_out': b_out,
    }

def reference(V_features_local, diff_k_full, dist_k_full, vid_list, diff_k, dist_k,
              W_feat, W_diff, W_dist, b_hidden, W_out, b_out):
    # scatter-overwrite: next_diff_k_full[vid] = diff_k[i]; next_dist_k_full[vid] = dist_k[i]
    next_diff_k_full = diff_k_full.at[vid_list].set(diff_k)
    next_dist_k_full = dist_k_full.at[vid_list].set(dist_k)
    n = V_features_local.shape[0]
    # embedding model: per-vacancy logits over 8 actions (SGDNTC-style embed head)
    h = jnp.maximum(
        V_features_local @ W_feat
        + next_diff_k_full.reshape(n, -1) @ W_diff
        + next_dist_k_full @ W_dist
        + b_hidden,
        0.0,
    )
    logits = (h @ W_out + b_out).reshape(-1)
    probs = jax.nn.softmax(logits)
    # illegal action mask from nn1 types (first 8 feature columns cast to int)
    nn1_types = V_features_local[:, 0:8].astype(jnp.int32)
    flat_illegal_mask = (nn1_types == 2).reshape(-1)
    masked_probs = jnp.where(flat_illegal_mask, 0.0, probs)
    s = masked_probs.sum()
    masked_probs = masked_probs / s
    action = jnp.argmax(masked_probs)  # deterministic=True path
    log_probs = jnp.log(probs + 1e-08)
    log_probs = jnp.where(flat_illegal_mask, -1000000000.0, log_probs)
    return (action, log_probs, masked_probs)

if __name__ == "__main__":
    import jax
    _d = setup_inputs()
    print(jax.jit(kernel)(*tuple(_d.values())))

</pallas_src>

<mosaic_0001>
#map = affine_map<(d0, d1) -> (0, 0)>
#map1 = affine_map<(d0, d1) -> (0)>
module attributes {stable_mosaic.version = 14 : i64} {
  func.func @sc_gather(%arg0: i32, %arg1: i32, %arg2: memref<1000000x32xf32, #tpu.memory_space<hbm>>, %arg3: memref<16384xi32, #tpu.memory_space<hbm>>, %arg4: memref<16384x32xf32, #tpu.memory_space<hbm>>, %arg5: memref<128xi32, #tpu.memory_space<vmem>>, %arg6: memref<128x32xf32, #tpu.memory_space<vmem>>, %arg7: memref<!tpu.dma_semaphore, #tpu.memory_space<semaphore_mem>>) attributes {dimension_semantics = [#tpu.dimension_semantics<core_parallel>, #tpu.dimension_semantics<subcore_parallel>], iteration_bounds = array<i64: 2, 16>, scalar_prefetch = 0 : i64, scratch_operands = 3 : i64, tpu.core_type = #tpu.core_type<sc_vector_subcore>, window_params = [{transform_indices = #map}, {transform_indices = #map1}, {transform_indices = #map}]} {
    %mul3A = arith.constant 2 : i32
    %mul3A_0 = arith.muli %arg1, %mul3A : i32
    %add3A = arith.addi %mul3A_0, %arg0 : i32
    %mul3A_1 = arith.constant 512 : i32
    %mul3A_2 = arith.muli %add3A, %mul3A_1 : i32
    %add3A_3 = arith.constant 0 : i32
    %add3A_4 = arith.addi %mul3A_2, %add3A_3 : i32
    "tpu.region"() ({
      %run_scoped3A = tpu.sem_alloc : memref<!tpu.dma_semaphore, #tpu.memory_space<semaphore_mem>>
      %dma_start3A_33 = tpu.memref_slice %arg3[%add3A_4] : memref<16384xi32, #tpu.memory_space<hbm>> -> memref<128xi32, #tpu.memory_space<hbm>>
      %dma_start3A_34 = tpu.memref_slice %arg3[%add3A_4] : memref<16384xi32, #tpu.memory_space<hbm>> -> memref<128xi32, #tpu.memory_space<hbm>>
      tpu.enqueue_dma source(%dma_start3A_34 : memref<128xi32, #tpu.memory_space<hbm>>) target(%arg5 : memref<128xi32, #tpu.memory_space<vmem>>) target_semaphore(%run_scoped3A : memref<!tpu.dma_semaphore, #tpu.memory_space<semaphore_mem>>)
      %dma_wait3A_35 = tpu.memref_slice %arg3[%add3A_4] : memref<16384xi32, #tpu.memory_space<hbm>> -> memref<128xi32, #tpu.memory_space<hbm>>
      %dma_wait3A_36 = tpu.memref_slice %arg3[%add3A_4] : memref<16384xi32, #tpu.memory_space<hbm>> -> memref<128xi32, #tpu.memory_space<hbm>>
      tpu.wait_dma2 semaphore(%run_scoped3A : memref<!tpu.dma_semaphore, #tpu.memory_space<semaphore_mem>>) src(%dma_wait3A_36 : memref<128xi32, #tpu.memory_space<hbm>>) dst(%arg5 : memref<128xi32, #tpu.memory_space<vmem>>)
      tpu.yield
    }) : () -> ()
    %dma_start3A = arith.constant 0 : i32
    %dma_start3A_5 = arith.constant 0 : i32
    %dma_start3A_6 = tpu.memref_slice %arg2[%dma_start3A, %dma_start3A_5] : memref<1000000x32xf32, #tpu.memory_space<hbm>> -> memref<1000000x32xf32, #tpu.memory_space<hbm>>
    tpu.enqueue_indirect_dma source(%dma_start3A_6 : memref<1000000x32xf32, #tpu.memory_space<hbm>>) target(%arg6 : memref<128x32xf32, #tpu.memory_space<vmem>>) offsets(%arg5 : memref<128xi32, #tpu.memory_space<vmem>>) semaphore(%arg7 : memref<!tpu.dma_semaphore, #tpu.memory_space<semaphore_mem>>)
    %dma_wait3A = arith.constant 0 : i32
    %dma_wait3A_7 = arith.constant 0 : i32
    %dma_wait3A_8 = tpu.memref_slice %arg2[%dma_wait3A, %dma_wait3A_7] : memref<1000000x32xf32, #tpu.memory_space<hbm>> -> memref<1000000x32xf32, #tpu.memory_space<hbm>>
    tpu.wait_indirect_dma semaphore(%arg7 : memref<!tpu.dma_semaphore, #tpu.memory_space<semaphore_mem>>) src(%dma_wait3A_8 : memref<1000000x32xf32, #tpu.memory_space<hbm>>) dst(%arg6 : memref<128x32xf32, #tpu.memory_space<vmem>>)
    "tpu.region"() ({
      %run_scoped3A = tpu.sem_alloc : memref<!tpu.dma_semaphore, #tpu.memory_space<semaphore_mem>>
      %dma_start3A_33 = arith.constant 0 : i32
      %dma_start3A_34 = tpu.memref_slice %arg4[%add3A_4, %dma_start3A_33] : memref<16384x32xf32, #tpu.memory_space<hbm>> -> memref<128x32xf32, #tpu.memory_space<hbm>>
      %dma_start3A_35 = arith.constant 0 : i32
      %dma_start3A_36 = tpu.memref_slice %arg4[%add3A_4, %dma_start3A_35] : memref<16384x32xf32, #tpu.memory_space<hbm>> -> memref<128x32xf32, #tpu.memory_space<hbm>>
      tpu.enqueue_dma source(%arg6 : memref<128x32xf32, #tpu.memory_space<vmem>>) target(%dma_start3A_36 : memref<128x32xf32, #tpu.memory_space<hbm>>) target_semaphore(%run_scoped3A : memref<!tpu.dma_semaphore, #tpu.memory_space<semaphore_mem>>)
      %dma_wait3A_37 = arith.constant 0 : i32
      %dma_wait3A_38 = tpu.memref_slice %arg4[%add3A_4, %dma_wait3A_37] : memref<16384x32xf32, #tpu.memory_space<hbm>> -> memref<128x32xf32, #tpu.memory_space<hbm>>
      %dma_wait3A_39 = arith.constant 0 : i32
      %dma_wait3A_40 = tpu.memref_slice %arg4[%add3A_4, %dma_wait3A_39] : memref<16384x32xf32, #tpu.memory_space<hbm>> -> memref<128x32xf32, #tpu.memory_space<hbm>>
      tpu.wait_dma2 semaphore(%run_scoped3A : memref<!tpu.dma_semaphore, #tpu.memory_space<semaphore_mem>>) src(%arg6 : memref<128x32xf32, #tpu.memory_space<vmem>>) dst(%dma_wait3A_40 : memref<128x32xf32, #tpu.memory_space<hbm>>)
      tpu.yield
    }) : () -> ()
    %add3A_9 = arith.constant 128 : i32
    %add3A_10 = arith.addi %mul3A_2, %add3A_9 : i32
    "tpu.region"() ({
      %run_scoped3A = tpu.sem_alloc : memref<!tpu.dma_semaphore, #tpu.memory_space<semaphore_mem>>
      %dma_start3A_33 = tpu.memref_slice %arg3[%add3A_10] : memref<16384xi32, #tpu.memory_space<hbm>> -> memref<128xi32, #tpu.memory_space<hbm>>
      %dma_start3A_34 = tpu.memref_slice %arg3[%add3A_10] : memref<16384xi32, #tpu.memory_space<hbm>> -> memref<128xi32, #tpu.memory_space<hbm>>
      tpu.enqueue_dma source(%dma_start3A_34 : memref<128xi32, #tpu.memory_space<hbm>>) target(%arg5 : memref<128xi32, #tpu.memory_space<vmem>>) target_semaphore(%run_scoped3A : memref<!tpu.dma_semaphore, #tpu.memory_space<semaphore_mem>>)
      %dma_wait3A_35 = tpu.memref_slice %arg3[%add3A_10] : memref<16384xi32, #tpu.memory_space<hbm>> -> memref<128xi32, #tpu.memory_space<hbm>>
      %dma_wait3A_36 = tpu.memref_slice %arg3[%add3A_10] : memref<16384xi32, #tpu.memory_space<hbm>> -> memref<128xi32, #tpu.memory_space<hbm>>
      tpu.wait_dma2 semaphore(%run_scoped3A : memref<!tpu.dma_semaphore, #tpu.memory_space<semaphore_mem>>) src(%dma_wait3A_36 : memref<128xi32, #tpu.memory_space<hbm>>) dst(%arg5 : memref<128xi32, #tpu.memory_space<vmem>>)
      tpu.yield
    }) : () -> ()
    %dma_start3A_11 = arith.constant 0 : i32
    %dma_start3A_12 = arith.constant 0 : i32
    %dma_start3A_13 = tpu.memref_slice %arg2[%dma_start3A_11, %dma_start3A_12] : memref<1000000x32xf32, #tpu.memory_space<hbm>> -> memref<1000000x32xf32, #tpu.memory_space<hbm>>
    tpu.enqueue_indirect_dma source(%dma_start3A_13 : memref<1000000x32xf32, #tpu.memory_space<hbm>>) target(%arg6 : memref<128x32xf32, #tpu.memory_space<vmem>>) offsets(%arg5 : memref<128xi32, #tpu.memory_space<vmem>>) semaphore(%arg7 : memref<!tpu.dma_semaphore, #tpu.memory_space<semaphore_mem>>)
    %dma_wait3A_14 = arith.constant 0 : i32
    %dma_wait3A_15 = arith.constant 0 : i32
    %dma_wait3A_16 = tpu.memref_slice %arg2[%dma_wait3A_14, %dma_wait3A_15] : memref<1000000x32xf32, #tpu.memory_space<hbm>> -> memref<1000000x32xf32, #tpu.memory_space<hbm>>
    tpu.wait_indirect_dma semaphore(%arg7 : memref<!tpu.dma_semaphore, #tpu.memory_space<semaphore_mem>>) src(%dma_wait3A_16 : memref<1000000x32xf32, #tpu.memory_space<hbm>>) dst(%arg6 : memref<128x32xf32, #tpu.memory_space<vmem>>)
    "tpu.region"() ({
      %run_scoped3A = tpu.sem_alloc : memref<!tpu.dma_semaphore, #tpu.memory_space<semaphore_mem>>
      %dma_start3A_33 = arith.constant 0 : i32
      %dma_start3A_34 = tpu.memref_slice %arg4[%add3A_10, %dma_start3A_33] : memref<16384x32xf32, #tpu.memory_space<hbm>> -> memref<128x32xf32, #tpu.memory_space<hbm>>
      %dma_start3A_35 = arith.constant 0 : i32
      %dma_start3A_36 = tpu.memref_slice %arg4[%add3A_10, %dma_start3A_35] : memref<16384x32xf32, #tpu.memory_space<hbm>> -> memref<128x32xf32, #tpu.memory_space<hbm>>
      tpu.enqueue_dma source(%arg6 : memref<128x32xf32, #tpu.memory_space<vmem>>) target(%dma_start3A_36 : memref<128x32xf32, #tpu.memory_space<hbm>>) target_semaphore(%run_scoped3A : memref<!tpu.dma_semaphore, #tpu.memory_space<semaphore_mem>>)
      %dma_wait3A_37 = arith.constant 0 : i32
      %dma_wait3A_38 = tpu.memref_slice %arg4[%add3A_10, %dma_wait3A_37] : memref<16384x32xf32, #tpu.memory_space<hbm>> -> memref<128x32xf32, #tpu.memory_space<hbm>>
      %dma_wait3A_39 = arith.constant 0 : i32
      %dma_wait3A_40 = tpu.memref_slice %arg4[%add3A_10, %dma_wait3A_39] : memref<16384x32xf32, #tpu.memory_space<hbm>> -> memref<128x32xf32, #tpu.memory_space<hbm>>
      tpu.wait_dma2 semaphore(%run_scoped3A : memref<!tpu.dma_semaphore, #tpu.memory_space<semaphore_mem>>) src(%arg6 : memref<128x32xf32, #tpu.memory_space<vmem>>) dst(%dma_wait3A_40 : memref<128x32xf32, #tpu.memory_space<hbm>>)
      tpu.yield
    }) : () -> ()
    %add3A_17 = arith.constant 256 : i32
    %add3A_18 = arith.addi %mul3A_2, %add3A_17 : i32
    "tpu.region"() ({
      %run_scoped3A = tpu.sem_alloc : memref<!tpu.dma_semaphore, #tpu.memory_space<semaphore_mem>>
      %dma_start3A_33 = tpu.memref_slice %arg3[%add3A_18] : memref<16384xi32, #tpu.memory_space<hbm>> -> memref<128xi32, #tpu.memory_space<hbm>>
      %dma_start3A_34 = tpu.memref_slice %arg3[%add3A_18] : memref<16384xi32, #tpu.memory_space<hbm>> -> memref<128xi32, #tpu.memory_space<hbm>>
      tpu.enqueue_dma source(%dma_start3A_34 : memref<128xi32, #tpu.memory_space<hbm>>) target(%arg5 : memref<128xi32, #tpu.memory_space<vmem>>) target_semaphore(%run_scoped3A : memref<!tpu.dma_semaphore, #tpu.memory_space<semaphore_mem>>)
      %dma_wait3A_35 = tpu.memref_slice %arg3[%add3A_18] : memref<16384xi32, #tpu.memory_space<hbm>> -> memref<128xi32, #tpu.memory_space<hbm>>
      %dma_wait3A_36 = tpu.memref_slice %arg3[%add3A_18] : memref<16384xi32, #tpu.memory_space<hbm>> -> memref<128xi32, #tpu.memory_space<hbm>>
      tpu.wait_dma2 semaphore(%run_scoped3A : memref<!tpu.dma_semaphore, #tpu.memory_space<semaphore_mem>>) src(%dma_wait3A_36 : memref<128xi32, #tpu.memory_space<hbm>>) dst(%arg5 : memref<128xi32, #tpu.memory_space<vmem>>)
      tpu.yield
    }) : () -> ()
    %dma_start3A_19 = arith.constant 0 : i32
    %dma_start3A_20 = arith.constant 0 : i32
    %dma_start3A_21 = tpu.memref_slice %arg2[%dma_start3A_19, %dma_start3A_20] : memref<1000000x32xf32, #tpu.memory_space<hbm>> -> memref<1000000x32xf32, #tpu.memory_space<hbm>>
    tpu.enqueue_indirect_dma source(%dma_start3A_21 : memref<1000000x32xf32, #tpu.memory_space<hbm>>) target(%arg6 : memref<128x32xf32, #tpu.memory_space<vmem>>) offsets(%arg5 : memref<128xi32, #tpu.memory_space<vmem>>) semaphore(%arg7 : memref<!tpu.dma_semaphore, #tpu.memory_space<semaphore_mem>>)
    %dma_wait3A_22 = arith.constant 0 : i32
    %dma_wait3A_23 = arith.constant 0 : i32
    %dma_wait3A_24 = tpu.memref_slice %arg2[%dma_wait3A_22, %dma_wait3A_23] : memref<1000000x32xf32, #tpu.memory_space<hbm>> -> memref<1000000x32xf32, #tpu.memory_space<hbm>>
    tpu.wait_indirect_dma semaphore(%arg7 : memref<!tpu.dma_semaphore, #tpu.memory_space<semaphore_mem>>) src(%dma_wait3A_24 : memref<1000000x32xf32, #tpu.memory_space<hbm>>) dst(%arg6 : memref<128x32xf32, #tpu.memory_space<vmem>>)
    "tpu.region"() ({
      %run_scoped3A = tpu.sem_alloc : memref<!tpu.dma_semaphore, #tpu.memory_space<semaphore_mem>>
      %dma_start3A_33 = arith.constant 0 : i32
      %dma_start3A_34 = tpu.memref_slice %arg4[%add3A_18, %dma_start3A_33] : memref<16384x32xf32, #tpu.memory_space<hbm>> -> memref<128x32xf32, #tpu.memory_space<hbm>>
      %dma_start3A_35 = arith.constant 0 : i32
      %dma_start3A_36 = tpu.memref_slice %arg4[%add3A_18, %dma_start3A_35] : memref<16384x32xf32, #tpu.memory_space<hbm>> -> memref<128x32xf32, #tpu.memory_space<hbm>>
      tpu.enqueue_dma source(%arg6 : memref<128x32xf32, #tpu.memory_space<vmem>>) target(%dma_start3A_36 : memref<128x32xf32, #tpu.memory_space<hbm>>) target_semaphore(%run_scoped3A : memref<!tpu.dma_semaphore, #tpu.memory_space<semaphore_mem>>)
      %dma_wait3A_37 = arith.constant 0 : i32
      %dma_wait3A_38 = tpu.memref_slice %arg4[%add3A_18, %dma_wait3A_37] : memref<16384x32xf32, #tpu.memory_space<hbm>> -> memref<128x32xf32, #tpu.memory_space<hbm>>
      %dma_wait3A_39 = arith.constant 0 : i32
      %dma_wait3A_40 = tpu.memref_slice %arg4[%add3A_18, %dma_wait3A_39] : memref<16384x32xf32, #tpu.memory_space<hbm>> -> memref<128x32xf32, #tpu.memory_space<hbm>>
      tpu.wait_dma2 semaphore(%run_scoped3A : memref<!tpu.dma_semaphore, #tpu.memory_space<semaphore_mem>>) src(%arg6 : memref<128x32xf32, #tpu.memory_space<vmem>>) dst(%dma_wait3A_40 : memref<128x32xf32, #tpu.memory_space<hbm>>)
      tpu.yield
    }) : () -> ()
    %add3A_25 = arith.constant 384 : i32
    %add3A_26 = arith.addi %mul3A_2, %add3A_25 : i32
    "tpu.region"() ({
      %run_scoped3A = tpu.sem_alloc : memref<!tpu.dma_semaphore, #tpu.memory_space<semaphore_mem>>
      %dma_start3A_33 = tpu.memref_slice %arg3[%add3A_26] : memref<16384xi32, #tpu.memory_space<hbm>> -> memref<128xi32, #tpu.memory_space<hbm>>
      %dma_start3A_34 = tpu.memref_slice %arg3[%add3A_26] : memref<16384xi32, #tpu.memory_space<hbm>> -> memref<128xi32, #tpu.memory_space<hbm>>
      tpu.enqueue_dma source(%dma_start3A_34 : memref<128xi32, #tpu.memory_space<hbm>>) target(%arg5 : memref<128xi32, #tpu.memory_space<vmem>>) target_semaphore(%run_scoped3A : memref<!tpu.dma_semaphore, #tpu.memory_space<semaphore_mem>>)
      %dma_wait3A_35 = tpu.memref_slice %arg3[%add3A_26] : memref<16384xi32, #tpu.memory_space<hbm>> -> memref<128xi32, #tpu.memory_space<hbm>>
      %dma_wait3A_36 = tpu.memref_slice %arg3[%add3A_26] : memref<16384xi32, #tpu.memory_space<hbm>> -> memref<128xi32, #tpu.memory_space<hbm>>
      tpu.wait_dma2 semaphore(%run_scoped3A : memref<!tpu.dma_semaphore, #tpu.memory_space<semaphore_mem>>) src(%dma_wait3A_36 : memref<128xi32, #tpu.memory_space<hbm>>) dst(%arg5 : memref<128xi32, #tpu.memory_space<vmem>>)
      tpu.yield
    }) : () -> ()
    %dma_start3A_27 = arith.constant 0 : i32
    %dma_start3A_28 = arith.constant 0 : i32
    %dma_start3A_29 = tpu.memref_slice %arg2[%dma_start3A_27, %dma_start3A_28] : memref<1000000x32xf32, #tpu.memory_space<hbm>> -> memref<1000000x32xf32, #tpu.memory_space<hbm>>
    tpu.enqueue_indirect_dma source(%dma_start3A_29 : memref<1000000x32xf32, #tpu.memory_space<hbm>>) target(%arg6 : memref<128x32xf32, #tpu.memory_space<vmem>>) offsets(%arg5 : memref<128xi32, #tpu.memory_space<vmem>>) semaphore(%arg7 : memref<!tpu.dma_semaphore, #tpu.memory_space<semaphore_mem>>)
    %dma_wait3A_30 = arith.constant 0 : i32
    %dma_wait3A_31 = arith.constant 0 : i32
    %dma_wait3A_32 = tpu.memref_slice %arg2[%dma_wait3A_30, %dma_wait3A_31] : memref<1000000x32xf32, #tpu.memory_space<hbm>> -> memref<1000000x32xf32, #tpu.memory_space<hbm>>
    tpu.wait_indirect_dma semaphore(%arg7 : memref<!tpu.dma_semaphore, #tpu.memory_space<semaphore_mem>>) src(%dma_wait3A_32 : memref<1000000x32xf32, #tpu.memory_space<hbm>>) dst(%arg6 : memref<128x32xf32, #tpu.memory_space<vmem>>)
    "tpu.region"() ({
      %run_scoped3A = tpu.sem_alloc : memref<!tpu.dma_semaphore, #tpu.memory_space<semaphore_mem>>
      %dma_start3A_33 = arith.constant 0 : i32
      %dma_start3A_34 = tpu.memref_slice %arg4[%add3A_26, %dma_start3A_33] : memref<16384x32xf32, #tpu.memory_space<hbm>> -> memref<128x32xf32, #tpu.memory_space<hbm>>
      %dma_start3A_35 = arith.constant 0 : i32
      %dma_start3A_36 = tpu.memref_slice %arg4[%add3A_26, %dma_start3A_35] : memref<16384x32xf32, #tpu.memory_space<hbm>> -> memref<128x32xf32, #tpu.memory_space<hbm>>
      tpu.enqueue_dma source(%arg6 : memref<128x32xf32, #tpu.memory_space<vmem>>) target(%dma_start3A_36 : memref<128x32xf32, #tpu.memory_space<hbm>>) target_semaphore(%run_scoped3A : memref<!tpu.dma_semaphore, #tpu.memory_space<semaphore_mem>>)
      %dma_wait3A_37 = arith.constant 0 : i32
      %dma_wait3A_38 = tpu.memref_slice %arg4[%add3A_26, %dma_wait3A_37] : memref<16384x32xf32, #tpu.memory_space<hbm>> -> memref<128x32xf32, #tpu.memory_space<hbm>>
      %dma_wait3A_39 = arith.constant 0 : i32
      %dma_wait3A_40 = tpu.memref_slice %arg4[%add3A_26, %dma_wait3A_39] : memref<16384x32xf32, #tpu.memory_space<hbm>> -> memref<128x32xf32, #tpu.memory_space<hbm>>
      tpu.wait_dma2 semaphore(%run_scoped3A : memref<!tpu.dma_semaphore, #tpu.memory_space<semaphore_mem>>) src(%arg6 : memref<128x32xf32, #tpu.memory_space<vmem>>) dst(%dma_wait3A_40 : memref<128x32xf32, #tpu.memory_space<hbm>>)
      tpu.yield
    }) : () -> ()
    return
  }
}

#map = affine_map<(d0, d1) -> (0, 0)>
#map1 = affine_map<(d0, d1) -> (0)>
module attributes {stable_mosaic.version = 14 : i64} {
  func.func @new_body(%arg0: i32, %arg1: i32, %arg2: memref<1000000x8xf32, #tpu.memory_space<hbm>>, %arg3: memref<16384xi32, #tpu.memory_space<hbm>>, %arg4: memref<16384x8xf32, #tpu.memory_space<hbm>>, %arg5: memref<1000000x8xf32, #tpu.memory_space<hbm>>, %arg6: memref<128xi32, #tpu.memory_space<vmem>>, %arg7: memref<128x8xf32, #tpu.memory_space<vmem>>, %arg8: memref<!tpu.dma_semaphore, #tpu.memory_space<semaphore_mem>>) attributes {dimension_semantics = [#tpu.dimension_semantics<core_parallel>, #tpu.dimension_semantics<subcore_parallel>], iteration_bounds = array<i64: 2, 16>, scalar_prefetch = 0 : i64, scratch_operands = 3 : i64, tpu.core_type = #tpu.core_type<sc_vector_subcore>, window_params = [{transform_indices = #map}, {transform_indices = #map1}, {transform_indices = #map}, {transform_indices = #map}]} {
    %mul3A = arith.constant 2 : i32
    %mul3A_0 = arith.muli %arg1, %mul3A : i32
    %add3A = arith.addi %mul3A_0, %arg0 : i32
    %mul3A_1 = arith.constant 512 : i32
    %mul3A_2 = arith.muli %add3A, %mul3A_1 : i32
    %add3A_3 = arith.constant 0 : i32
    %add3A_4 = arith.addi %mul3A_2, %add3A_3 : i32
    "tpu.region"() ({
      %run_scoped3A = tpu.sem_alloc : memref<!tpu.dma_semaphore, #tpu.memory_space<semaphore_mem>>
      %dma_start3A_33 = tpu.memref_slice %arg3[%add3A_4] : memref<16384xi32, #tpu.memory_space<hbm>> -> memref<128xi32, #tpu.memory_space<hbm>>
      %dma_start3A_34 = tpu.memref_slice %arg3[%add3A_4] : memref<16384xi32, #tpu.memory_space<hbm>> -> memref<128xi32, #tpu.memory_space<hbm>>
      tpu.enqueue_dma source(%dma_start3A_34 : memref<128xi32, #tpu.memory_space<hbm>>) target(%arg6 : memref<128xi32, #tpu.memory_space<vmem>>) target_semaphore(%run_scoped3A : memref<!tpu.dma_semaphore, #tpu.memory_space<semaphore_mem>>)
      %dma_wait3A_35 = tpu.memref_slice %arg3[%add3A_4] : memref<16384xi32, #tpu.memory_space<hbm>> -> memref<128xi32, #tpu.memory_space<hbm>>
      %dma_wait3A_36 = tpu.memref_slice %arg3[%add3A_4] : memref<16384xi32, #tpu.memory_space<hbm>> -> memref<128xi32, #tpu.memory_space<hbm>>
      tpu.wait_dma2 semaphore(%run_scoped3A : memref<!tpu.dma_semaphore, #tpu.memory_space<semaphore_mem>>) src(%dma_wait3A_36 : memref<128xi32, #tpu.memory_space<hbm>>) dst(%arg6 : memref<128xi32, #tpu.memory_space<vmem>>)
      tpu.yield
    }) : () -> ()
    "tpu.region"() ({
      %run_scoped3A = tpu.sem_alloc : memref<!tpu.dma_semaphore, #tpu.memory_space<semaphore_mem>>
      %dma_start3A_33 = arith.constant 0 : i32
      %dma_start3A_34 = tpu.memref_slice %arg4[%add3A_4, %dma_start3A_33] : memref<16384x8xf32, #tpu.memory_space<hbm>> -> memref<128x8xf32, #tpu.memory_space<hbm>>
      %dma_start3A_35 = arith.constant 0 : i32
      %dma_start3A_36 = tpu.memref_slice %arg4[%add3A_4, %dma_start3A_35] : memref<16384x8xf32, #tpu.memory_space<hbm>> -> memref<128x8xf32, #tpu.memory_space<hbm>>
      tpu.enqueue_dma source(%dma_start3A_36 : memref<128x8xf32, #tpu.memory_space<hbm>>) target(%arg7 : memref<128x8xf32, #tpu.memory_space<vmem>>) target_semaphore(%run_scoped3A : memref<!tpu.dma_semaphore, #tpu.memory_space<semaphore_mem>>)
      %dma_wait3A_37 = arith.constant 0 : i32
      %dma_wait3A_38 = tpu.memref_slice %arg4[%add3A_4, %dma_wait3A_37] : memref<16384x8xf32, #tpu.memory_space<hbm>> -> memref<128x8xf32, #tpu.memory_space<hbm>>
      %dma_wait3A_39 = arith.constant 0 : i32
      %dma_wait3A_40 = tpu.memref_slice %arg4[%add3A_4, %dma_wait3A_39] : memref<16384x8xf32, #tpu.memory_space<hbm>> -> memref<128x8xf32, #tpu.memory_space<hbm>>
      tpu.wait_dma2 semaphore(%run_scoped3A : memref<!tpu.dma_semaphore, #tpu.memory_space<semaphore_mem>>) src(%dma_wait3A_40 : memref<128x8xf32, #tpu.memory_space<hbm>>) dst(%arg7 : memref<128x8xf32, #tpu.memory_space<vmem>>)
      tpu.yield
    }) : () -> ()
    %dma_start3A = arith.constant 0 : i32
    %dma_start3A_5 = arith.constant 0 : i32
    %dma_start3A_6 = tpu.memref_slice %arg2[%dma_start3A, %dma_start3A_5] : memref<1000000x8xf32, #tpu.memory_space<hbm>> -> memref<1000000x8xf32, #tpu.memory_space<hbm>>
    tpu.enqueue_indirect_dma source(%arg7 : memref<128x8xf32, #tpu.memory_space<vmem>>) target(%dma_start3A_6 : memref<1000000x8xf32, #tpu.memory_space<hbm>>) offsets(%arg6 : memref<128xi32, #tpu.memory_space<vmem>>) semaphore(%arg8 : memref<!tpu.dma_semaphore, #tpu.memory_space<semaphore_mem>>)
    %dma_wait3A = arith.constant 0 : i32
    %dma_wait3A_7 = arith.constant 0 : i32
    %dma_wait3A_8 = tpu.memref_slice %arg2[%dma_wait3A, %dma_wait3A_7] : memref<1000000x8xf32, #tpu.memory_space<hbm>> -> memref<1000000x8xf32, #tpu.memory_space<hbm>>
    tpu.wait_indirect_dma semaphore(%arg8 : memref<!tpu.dma_semaphore, #tpu.memory_space<semaphore_mem>>) src(%arg7 : memref<128x8xf32, #tpu.memory_space<vmem>>) dst(%dma_wait3A_8 : memref<1000000x8xf32, #tpu.memory_space<hbm>>)
    %add3A_9 = arith.constant 128 : i32
    %add3A_10 = arith.addi %mul3A_2, %add3A_9 : i32
    "tpu.region"() ({
      %run_scoped3A = tpu.sem_alloc : memref<!tpu.dma_semaphore, #tpu.memory_space<semaphore_mem>>
      %dma_start3A_33 = tpu.memref_slice %arg3[%add3A_10] : memref<16384xi32, #tpu.memory_space<hbm>> -> memref<128xi32, #tpu.memory_space<hbm>>
      %dma_start3A_34 = tpu.memref_slice %arg3[%add3A_10] : memref<16384xi32, #tpu.memory_space<hbm>> -> memref<128xi32, #tpu.memory_space<hbm>>
      tpu.enqueue_dma source(%dma_start3A_34 : memref<128xi32, #tpu.memory_space<hbm>>) target(%arg6 : memref<128xi32, #tpu.memory_space<vmem>>) target_semaphore(%run_scoped3A : memref<!tpu.dma_semaphore, #tpu.memory_space<semaphore_mem>>)
      %dma_wait3A_35 = tpu.memref_slice %arg3[%add3A_10] : memref<16384xi32, #tpu.memory_space<hbm>> -> memref<128xi32, #tpu.memory_space<hbm>>
      %dma_wait3A_36 = tpu.memref_slice %arg3[%add3A_10] : memref<16384xi32, #tpu.memory_space<hbm>> -> memref<128xi32, #tpu.memory_space<hbm>>
      tpu.wait_dma2 semaphore(%run_scoped3A : memref<!tpu.dma_semaphore, #tpu.memory_space<semaphore_mem>>) src(%dma_wait3A_36 : memref<128xi32, #tpu.memory_space<hbm>>) dst(%arg6 : memref<128xi32, #tpu.memory_space<vmem>>)
      tpu.yield
    }) : () -> ()
    "tpu.region"() ({
      %run_scoped3A = tpu.sem_alloc : memref<!tpu.dma_semaphore, #tpu.memory_space<semaphore_mem>>
      %dma_start3A_33 = arith.constant 0 : i32
      %dma_start3A_34 = tpu.memref_slice %arg4[%add3A_10, %dma_start3A_33] : memref<16384x8xf32, #tpu.memory_space<hbm>> -> memref<128x8xf32, #tpu.memory_space<hbm>>
      %dma_start3A_35 = arith.constant 0 : i32
      %dma_start3A_36 = tpu.memref_slice %arg4[%add3A_10, %dma_start3A_35] : memref<16384x8xf32, #tpu.memory_space<hbm>> -> memref<128x8xf32, #tpu.memory_space<hbm>>
      tpu.enqueue_dma source(%dma_start3A_36 : memref<128x8xf32, #tpu.memory_space<hbm>>) target(%arg7 : memref<128x8xf32, #tpu.memory_space<vmem>>) target_semaphore(%run_scoped3A : memref<!tpu.dma_semaphore, #tpu.memory_space<semaphore_mem>>)
      %dma_wait3A_37 = arith.constant 0 : i32
      %dma_wait3A_38 = tpu.memref_slice %arg4[%add3A_10, %dma_wait3A_37] : memref<16384x8xf32, #tpu.memory_space<hbm>> -> memref<128x8xf32, #tpu.memory_space<hbm>>
      %dma_wait3A_39 = arith.constant 0 : i32
      %dma_wait3A_40 = tpu.memref_slice %arg4[%add3A_10, %dma_wait3A_39] : memref<16384x8xf32, #tpu.memory_space<hbm>> -> memref<128x8xf32, #tpu.memory_space<hbm>>
      tpu.wait_dma2 semaphore(%run_scoped3A : memref<!tpu.dma_semaphore, #tpu.memory_space<semaphore_mem>>) src(%dma_wait3A_40 : memref<128x8xf32, #tpu.memory_space<hbm>>) dst(%arg7 : memref<128x8xf32, #tpu.memory_space<vmem>>)
      tpu.yield
    }) : () -> ()
    %dma_start3A_11 = arith.constant 0 : i32
    %dma_start3A_12 = arith.constant 0 : i32
    %dma_start3A_13 = tpu.memref_slice %arg2[%dma_start3A_11, %dma_start3A_12] : memref<1000000x8xf32, #tpu.memory_space<hbm>> -> memref<1000000x8xf32, #tpu.memory_space<hbm>>
    tpu.enqueue_indirect_dma source(%arg7 : memref<128x8xf32, #tpu.memory_space<vmem>>) target(%dma_start3A_13 : memref<1000000x8xf32, #tpu.memory_space<hbm>>) offsets(%arg6 : memref<128xi32, #tpu.memory_space<vmem>>) semaphore(%arg8 : memref<!tpu.dma_semaphore, #tpu.memory_space<semaphore_mem>>)
    %dma_wait3A_14 = arith.constant 0 : i32
    %dma_wait3A_15 = arith.constant 0 : i32
    %dma_wait3A_16 = tpu.memref_slice %arg2[%dma_wait3A_14, %dma_wait3A_15] : memref<1000000x8xf32, #tpu.memory_space<hbm>> -> memref<1000000x8xf32, #tpu.memory_space<hbm>>
    tpu.wait_indirect_dma semaphore(%arg8 : memref<!tpu.dma_semaphore, #tpu.memory_space<semaphore_mem>>) src(%arg7 : memref<128x8xf32, #tpu.memory_space<vmem>>) dst(%dma_wait3A_16 : memref<1000000x8xf32, #tpu.memory_space<hbm>>)
    %add3A_17 = arith.constant 256 : i32
    %add3A_18 = arith.addi %mul3A_2, %add3A_17 : i32
    "tpu.region"() ({
      %run_scoped3A = tpu.sem_alloc : memref<!tpu.dma_semaphore, #tpu.memory_space<semaphore_mem>>
      %dma_start3A_33 = tpu.memref_slice %arg3[%add3A_18] : memref<16384xi32, #tpu.memory_space<hbm>> -> memref<128xi32, #tpu.memory_space<hbm>>
      %dma_start3A_34 = tpu.memref_slice %arg3[%add3A_18] : memref<16384xi32, #tpu.memory_space<hbm>> -> memref<128xi32, #tpu.memory_space<hbm>>
      tpu.enqueue_dma source(%dma_start3A_34 : memref<128xi32, #tpu.memory_space<hbm>>) target(%arg6 : memref<128xi32, #tpu.memory_space<vmem>>) target_semaphore(%run_scoped3A : memref<!tpu.dma_semaphore, #tpu.memory_space<semaphore_mem>>)
      %dma_wait3A_35 = tpu.memref_slice %arg3[%add3A_18] : memref<16384xi32, #tpu.memory_space<hbm>> -> memref<128xi32, #tpu.memory_space<hbm>>
      %dma_wait3A_36 = tpu.memref_slice %arg3[%add3A_18] : memref<16384xi32, #tpu.memory_space<hbm>> -> memref<128xi32, #tpu.memory_space<hbm>>
      tpu.wait_dma2 semaphore(%run_scoped3A : memref<!tpu.dma_semaphore, #tpu.memory_space<semaphore_mem>>) src(%dma_wait3A_36 : memref<128xi32, #tpu.memory_space<hbm>>) dst(%arg6 : memref<128xi32, #tpu.memory_space<vmem>>)
      tpu.yield
    }) : () -> ()
    "tpu.region"() ({
      %run_scoped3A = tpu.sem_alloc : memref<!tpu.dma_semaphore, #tpu.memory_space<semaphore_mem>>
      %dma_start3A_33 = arith.constant 0 : i32
      %dma_start3A_34 = tpu.memref_slice %arg4[%add3A_18, %dma_start3A_33] : memref<16384x8xf32, #tpu.memory_space<hbm>> -> memref<128x8xf32, #tpu.memory_space<hbm>>
      %dma_start3A_35 = arith.constant 0 : i32
      %dma_start3A_36 = tpu.memref_slice %arg4[%add3A_18, %dma_start3A_35] : memref<16384x8xf32, #tpu.memory_space<hbm>> -> memref<128x8xf32, #tpu.memory_space<hbm>>
      tpu.enqueue_dma source(%dma_start3A_36 : memref<128x8xf32, #tpu.memory_space<hbm>>) target(%arg7 : memref<128x8xf32, #tpu.memory_space<vmem>>) target_semaphore(%run_scoped3A : memref<!tpu.dma_semaphore, #tpu.memory_space<semaphore_mem>>)
      %dma_wait3A_37 = arith.constant 0 : i32
      %dma_wait3A_38 = tpu.memref_slice %arg4[%add3A_18, %dma_wait3A_37] : memref<16384x8xf32, #tpu.memory_space<hbm>> -> memref<128x8xf32, #tpu.memory_space<hbm>>
      %dma_wait3A_39 = arith.constant 0 : i32
      %dma_wait3A_40 = tpu.memref_slice %arg4[%add3A_18, %dma_wait3A_39] : memref<16384x8xf32, #tpu.memory_space<hbm>> -> memref<128x8xf32, #tpu.memory_space<hbm>>
      tpu.wait_dma2 semaphore(%run_scoped3A : memref<!tpu.dma_semaphore, #tpu.memory_space<semaphore_mem>>) src(%dma_wait3A_40 : memref<128x8xf32, #tpu.memory_space<hbm>>) dst(%arg7 : memref<128x8xf32, #tpu.memory_space<vmem>>)
      tpu.yield
    }) : () -> ()
    %dma_start3A_19 = arith.constant 0 : i32
    %dma_start3A_20 = arith.constant 0 : i32
    %dma_start3A_21 = tpu.memref_slice %arg2[%dma_start3A_19, %dma_start3A_20] : memref<1000000x8xf32, #tpu.memory_space<hbm>> -> memref<1000000x8xf32, #tpu.memory_space<hbm>>
    tpu.enqueue_indirect_dma source(%arg7 : memref<128x8xf32, #tpu.memory_space<vmem>>) target(%dma_start3A_21 : memref<1000000x8xf32, #tpu.memory_space<hbm>>) offsets(%arg6 : memref<128xi32, #tpu.memory_space<vmem>>) semaphore(%arg8 : memref<!tpu.dma_semaphore, #tpu.memory_space<semaphore_mem>>)
    %dma_wait3A_22 = arith.constant 0 : i32
    %dma_wait3A_23 = arith.constant 0 : i32
    %dma_wait3A_24 = tpu.memref_slice %arg2[%dma_wait3A_22, %dma_wait3A_23] : memref<1000000x8xf32, #tpu.memory_space<hbm>> -> memref<1000000x8xf32, #tpu.memory_space<hbm>>
    tpu.wait_indirect_dma semaphore(%arg8 : memref<!tpu.dma_semaphore, #tpu.memory_space<semaphore_mem>>) src(%arg7 : memref<128x8xf32, #tpu.memory_space<vmem>>) dst(%dma_wait3A_24 : memref<1000000x8xf32, #tpu.memory_space<hbm>>)
    %add3A_25 = arith.constant 384 : i32
    %add3A_26 = arith.addi %mul3A_2, %add3A_25 : i32
    "tpu.region"() ({
      %run_scoped3A = tpu.sem_alloc : memref<!tpu.dma_semaphore, #tpu.memory_space<semaphore_mem>>
      %dma_start3A_33 = tpu.memref_slice %arg3[%add3A_26] : memref<16384xi32, #tpu.memory_space<hbm>> -> memref<128xi32, #tpu.memory_space<hbm>>
      %dma_start3A_34 = tpu.memref_slice %arg3[%add3A_26] : memref<16384xi32, #tpu.memory_space<hbm>> -> memref<128xi32, #tpu.memory_space<hbm>>
      tpu.enqueue_dma source(%dma_start3A_34 : memref<128xi32, #tpu.memory_space<hbm>>) target(%arg6 : memref<128xi32, #tpu.memory_space<vmem>>) target_semaphore(%run_scoped3A : memref<!tpu.dma_semaphore, #tpu.memory_space<semaphore_mem>>)
      %dma_wait3A_35 = tpu.memref_slice %arg3[%add3A_26] : memref<16384xi32, #tpu.memory_space<hbm>> -> memref<128xi32, #tpu.memory_space<hbm>>
      %dma_wait3A_36 = tpu.memref_slice %arg3[%add3A_26] : memref<16384xi32, #tpu.memory_space<hbm>> -> memref<128xi32, #tpu.memory_space<hbm>>
      tpu.wait_dma2 semaphore(%run_scoped3A : memref<!tpu.dma_semaphore, #tpu.memory_space<semaphore_mem>>) src(%dma_wait3A_36 : memref<128xi32, #tpu.memory_space<hbm>>) dst(%arg6 : memref<128xi32, #tpu.memory_space<vmem>>)
      tpu.yield
    }) : () -> ()
    "tpu.region"() ({
      %run_scoped3A = tpu.sem_alloc : memref<!tpu.dma_semaphore, #tpu.memory_space<semaphore_mem>>
      %dma_start3A_33 = arith.constant 0 : i32
      %dma_start3A_34 = tpu.memref_slice %arg4[%add3A_26, %dma_start3A_33] : memref<16384x8xf32, #tpu.memory_space<hbm>> -> memref<128x8xf32, #tpu.memory_space<hbm>>
      %dma_start3A_35 = arith.constant 0 : i32
      %dma_start3A_36 = tpu.memref_slice %arg4[%add3A_26, %dma_start3A_35] : memref<16384x8xf32, #tpu.memory_space<hbm>> -> memref<128x8xf32, #tpu.memory_space<hbm>>
      tpu.enqueue_dma source(%dma_start3A_36 : memref<128x8xf32, #tpu.memory_space<hbm>>) target(%arg7 : memref<128x8xf32, #tpu.memory_space<vmem>>) target_semaphore(%run_scoped3A : memref<!tpu.dma_semaphore, #tpu.memory_space<semaphore_mem>>)
      %dma_wait3A_37 = arith.constant 0 : i32
      %dma_wait3A_38 = tpu.memref_slice %arg4[%add3A_26, %dma_wait3A_37] : memref<16384x8xf32, #tpu.memory_space<hbm>> -> memref<128x8xf32, #tpu.memory_space<hbm>>
      %dma_wait3A_39 = arith.constant 0 : i32
      %dma_wait3A_40 = tpu.memref_slice %arg4[%add3A_26, %dma_wait3A_39] : memref<16384x8xf32, #tpu.memory_space<hbm>> -> memref<128x8xf32, #tpu.memory_space<hbm>>
      tpu.wait_dma2 semaphore(%run_scoped3A : memref<!tpu.dma_semaphore, #tpu.memory_space<semaphore_mem>>) src(%dma_wait3A_40 : memref<128x8xf32, #tpu.memory_space<hbm>>) dst(%arg7 : memref<128x8xf32, #tpu.memory_space<vmem>>)
      tpu.yield
    }) : () -> ()
    %dma_start3A_27 = arith.constant 0 : i32
    %dma_start3A_28 = arith.constant 0 : i32
    %dma_start3A_29 = tpu.memref_slice %arg2[%dma_start3A_27, %dma_start3A_28] : memref<1000000x8xf32, #tpu.memory_space<hbm>> -> memref<1000000x8xf32, #tpu.memory_space<hbm>>
    tpu.enqueue_indirect_dma source(%arg7 : memref<128x8xf32, #tpu.memory_space<vmem>>) target(%dma_start3A_29 : memref<1000000x8xf32, #tpu.memory_space<hbm>>) offsets(%arg6 : memref<128xi32, #tpu.memory_space<vmem>>) semaphore(%arg8 : memref<!tpu.dma_semaphore, #tpu.memory_space<semaphore_mem>>)
    %dma_wait3A_30 = arith.constant 0 : i32
    %dma_wait3A_31 = arith.constant 0 : i32
    %dma_wait3A_32 = tpu.memref_slice %arg2[%dma_wait3A_30, %dma_wait3A_31] : memref<1000000x8xf32, #tpu.memory_space<hbm>> -> memref<1000000x8xf32, #tpu.memory_space<hbm>>
    tpu.wait_indirect_dma semaphore(%arg8 : memref<!tpu.dma_semaphore, #tpu.memory_space<semaphore_mem>>) src(%arg7 : memref<128x8xf32, #tpu.memory_space<vmem>>) dst(%dma_wait3A_32 : memref<1000000x8xf32, #tpu.memory_space<hbm>>)
    return
  }
}

module attributes {stable_mosaic.version = 14 : i64} {
  func.func @_sweep_body(%arg0: i32, %arg1: memref<1x500x512xf32, #tpu.memory_space<vmem>>, %arg2: memref<1x500x768xf32, #tpu.memory_space<vmem>>, %arg3: memref<1x500x256xf32, #tpu.memory_space<vmem>>, %arg4: memref<512x512xf32, #tpu.memory_space<vmem>>, %arg5: memref<768x512xf32, #tpu.memory_space<vmem>>, %arg6: memref<256x512xf32, #tpu.memory_space<vmem>>, %arg7: memref<1x512xf32, #tpu.memory_space<vmem>>, %arg8: memref<512x128xf32, #tpu.memory_space<vmem>>, %arg9: memref<1x128xf32, #tpu.memory_space<vmem>>, %arg10: memref<512x128xf32, #tpu.memory_space<vmem>>, %arg11: memref<1x500x128xf32, #tpu.memory_space<vmem>>, %arg12: memref<1x500x128xi8, #tpu.memory_space<vmem>>) attributes {dimension_semantics = [#tpu.dimension_semantics<arbitrary>], iteration_bounds = array<i64: 125>, scalar_prefetch = 0 : i64, scratch_operands = 0 : i64, tpu.core_type = #tpu.core_type<tc>, window_params = [{transform_indices = @transform_0, window_bounds = array<i64: 1, 500, 512>}, {transform_indices = @transform_1, window_bounds = array<i64: 1, 500, 768>}, {transform_indices = @transform_2, window_bounds = array<i64: 1, 500, 256>}, {pipeline_mode = #tpu.pipeline_mode<synchronous>, transform_indices = @transform_3, window_bounds = array<i64: 512, 512>}, {pipeline_mode = #tpu.pipeline_mode<synchronous>, transform_indices = @transform_4, window_bounds = array<i64: 768, 512>}, {pipeline_mode = #tpu.pipeline_mode<synchronous>, transform_indices = @transform_5, window_bounds = array<i64: 256, 512>}, {pipeline_mode = #tpu.pipeline_mode<synchronous>, transform_indices = @transform_6, window_bounds = array<i64: 1, 512>}, {pipeline_mode = #tpu.pipeline_mode<synchronous>, transform_indices = @transform_7, window_bounds = array<i64: 512, 128>}, {pipeline_mode = #tpu.pipeline_mode<synchronous>, transform_indices = @transform_8, window_bounds = array<i64: 1, 128>}, {pipeline_mode = #tpu.pipeline_mode<synchronous>, transform_indices = @transform_9, window_bounds = array<i64: 512, 128>}, {transform_indices = @transform_10, window_bounds = array<i64: 1, 500, 128>}, {transform_indices = @transform_11, window_bounds = array<i64: 1, 500, 128>}]} {
    %get3A = arith.constant 0 : index
    %get3A_0 = arith.constant 0 : index
    %get3A_1 = arith.constant 0 : index
    %get3A_2 = vector.load %arg1[%get3A, %get3A_0, %get3A_1] : memref<1x500x512xf32, #tpu.memory_space<vmem>>, vector<1x500x512xf32>
    %get3A_3 = vector.shape_cast %get3A_2 : vector<1x500x512xf32> to vector<500x512xf32>
    %get3A_4 = arith.constant 0 : index
    %get3A_5 = arith.constant 0 : index
    %get3A_6 = vector.load %arg4[%get3A_4, %get3A_5] : memref<512x512xf32, #tpu.memory_space<vmem>>, vector<512x512xf32>
    %dot_general3A = arith.constant dense<0.000000e+00> : vector<500x512xf32>
    %dot_general3A_7 = tpu.matmul %get3A_3, %get3A_6, %dot_general3A {dimension_numbers = #tpu.dot_dimension_numbers<[1], [0], [0], [1], [0, 0, 1, 1], [], []>, transpose_lhs_hint = false} : vector<500x512xf32>, vector<512x512xf32>, vector<500x512xf32> -> vector<500x512xf32>
    %get3A_8 = arith.constant 0 : index
    %get3A_9 = arith.constant 0 : index
    %get3A_10 = arith.constant 0 : index
    %get3A_11 = vector.load %arg2[%get3A_8, %get3A_9, %get3A_10] : memref<1x500x768xf32, #tpu.memory_space<vmem>>, vector<1x500x768xf32>
    %get3A_12 = vector.shape_cast %get3A_11 : vector<1x500x768xf32> to vector<500x768xf32>
    %get3A_13 = arith.constant 0 : index
    %get3A_14 = arith.constant 0 : index
    %get3A_15 = vector.load %arg5[%get3A_13, %get3A_14] : memref<768x512xf32, #tpu.memory_space<vmem>>, vector<768x512xf32>
    %dot_general3A_16 = arith.constant dense<0.000000e+00> : vector<500x512xf32>
    %dot_general3A_17 = tpu.matmul %get3A_12, %get3A_15, %dot_general3A_16 {dimension_numbers = #tpu.dot_dimension_numbers<[1], [0], [0], [1], [0, 0, 1, 1], [], []>, transpose_lhs_hint = false} : vector<500x768xf32>, vector<768x512xf32>, vector<500x512xf32> -> vector<500x512xf32>
    %add3A = arith.addf %dot_general3A_7, %dot_general3A_17 : vector<500x512xf32>
    %get3A_18 = arith.constant 0 : index
    %get3A_19 = arith.constant 0 : index
    %get3A_20 = arith.constant 0 : index
    %get3A_21 = vector.load %arg3[%get3A_18, %get3A_19, %get3A_20] : memref<1x500x256xf32, #tpu.memory_space<vmem>>, vector<1x500x256xf32>
    %get3A_22 = vector.shape_cast %get3A_21 : vector<1x500x256xf32> to vector<500x256xf32>
    %get3A_23 = arith.constant 0 : index
    %get3A_24 = arith.constant 0 : index
    %get3A_25 = vector.load %arg6[%get3A_23, %get3A_24] : memref<256x512xf32, #tpu.memory_space<vmem>>, vector<256x512xf32>
    %dot_general3A_26 = arith.constant dense<0.000000e+00> : vector<500x512xf32>
    %dot_general3A_27 = tpu.matmul %get3A_22, %get3A_25, %dot_general3A_26 {dimension_numbers = #tpu.dot_dimension_numbers<[1], [0], [0], [1], [0, 0, 1, 1], [], []>, transpose_lhs_hint = false} : vector<500x256xf32>, vector<256x512xf32>, vector<500x512xf32> -> vector<500x512xf32>
    %add3A_28 = arith.addf %add3A, %dot_general3A_27 : vector<500x512xf32>
    %get3A_29 = arith.constant 0 : index
    %get3A_30 = arith.constant 0 : index
    %get3A_31 = vector.load %arg7[%get3A_29, %get3A_30] : memref<1x512xf32, #tpu.memory_space<vmem>>, vector<1x512xf32>
    %add3A_32 = vector.broadcast %get3A_31 : vector<1x512xf32> to vector<500x512xf32>
    %add3A_33 = arith.addf %add3A_28, %add3A_32 : vector<500x512xf32>
    %max3A = arith.constant 0.000000e+00 : f32
    %max3A_34 = vector.broadcast %max3A : f32 to vector<500x512xf32>
    %max3A_35 = arith.maximumf %add3A_33, %max3A_34 : vector<500x512xf32>
    %get3A_36 = arith.constant 0 : index
    %get3A_37 = arith.constant 0 : index
    %get3A_38 = vector.load %arg8[%get3A_36, %get3A_37] : memref<512x128xf32, #tpu.memory_space<vmem>>, vector<512x128xf32>
    %dot_general3A_39 = arith.constant dense<0.000000e+00> : vector<500x128xf32>
    %dot_general3A_40 = tpu.matmul %max3A_35, %get3A_38, %dot_general3A_39 {dimension_numbers = #tpu.dot_dimension_numbers<[1], [0], [0], [1], [0, 0, 1, 1], [], []>, transpose_lhs_hint = false} : vector<500x512xf32>, vector<512x128xf32>, vector<500x128xf32> -> vector<500x128xf32>
    %get3A_41 = arith.constant 0 : index
    %get3A_42 = arith.constant 0 : index
    %get3A_43 = vector.load %arg9[%get3A_41, %get3A_42] : memref<1x128xf32, #tpu.memory_space<vmem>>, vector<1x128xf32>
    %add3A_44 = vector.broadcast %get3A_43 : vector<1x128xf32> to vector<500x128xf32>
    %add3A_45 = arith.addf %dot_general3A_40, %add3A_44 : vector<500x128xf32>
    %swap3A = arith.constant 0 : index
    %swap3A_46 = arith.constant 0 : index
    %swap3A_47 = arith.constant 0 : index
    %swap3A_48 = vector.load %arg11[%swap3A, %swap3A_46, %swap3A_47] : memref<1x500x128xf32, #tpu.memory_space<vmem>>, vector<1x500x128xf32>
    %swap3A_49 = vector.shape_cast %swap3A_48 : vector<1x500x128xf32> to vector<500x128xf32>
    %swap3A_50 = vector.shape_cast %add3A_45 : vector<500x128xf32> to vector<1x500x128xf32>
    tpu.vector_store %arg11[%swap3A, %swap3A_46, %swap3A_47], %swap3A_50 {strides = array<i32>} : memref<1x500x128xf32, #tpu.memory_space<vmem>>, vector<1x500x128xf32>,
    %convert_element_type3A = arith.fptosi %get3A_3 : vector<500x512xf32> to vector<500x512xi32>
    %eq3A = arith.constant 2 : i32
    %eq3A_51 = vector.broadcast %eq3A : i32 to vector<500x512xi32>
    %eq3A_52 = arith.cmpi eq, %convert_element_type3A, %eq3A_51 : vector<500x512xi32>
    %convert_element_type3A_53 = arith.extui %eq3A_52 : vector<500x512xi1> to vector<500x512xi32>
    %convert_element_type3A_54 = arith.sitofp %convert_element_type3A_53 : vector<500x512xi32> to vector<500x512xf32>
    %get3A_55 = arith.constant 0 : index
    %get3A_56 = arith.constant 0 : index
    %get3A_57 = vector.load %arg10[%get3A_55, %get3A_56] : memref<512x128xf32, #tpu.memory_space<vmem>>, vector<512x128xf32>
    %dot_general3A_58 = arith.constant dense<0.000000e+00> : vector<500x128xf32>
    %dot_general3A_59 = tpu.matmul %convert_element_type3A_54, %get3A_57, %dot_general3A_58 {dimension_numbers = #tpu.dot_dimension_numbers<[1], [0], [0], [1], [0, 0, 1, 1], [], []>, transpose_lhs_hint = false} : vector<500x512xf32>, vector<512x128xf32>, vector<500x128xf32> -> vector<500x128xf32>
    %gt3A = arith.constant 5.000000e-01 : f32
    %gt3A_60 = vector.broadcast %gt3A : f32 to vector<500x128xf32>
    %gt3A_61 = arith.cmpf ogt, %dot_general3A_59, %gt3A_60 : vector<500x128xf32>
    %convert_element_type3A_62 = arith.extui %gt3A_61 : vector<500x128xi1> to vector<500x128xi8>
    %swap3A_63 = arith.constant 0 : index
    %swap3A_64 = arith.constant 0 : index
    %swap3A_65 = arith.constant 0 : index
    %swap3A_66 = vector.load %arg12[%swap3A_63, %swap3A_64, %swap3A_65] : memref<1x500x128xi8, #tpu.memory_space<vmem>>, vector<1x500x128xi8>
    %swap3A_67 = vector.shape_cast %swap3A_66 : vector<1x500x128xi8> to vector<500x128xi8>
    %swap3A_68 = vector.shape_cast %convert_element_type3A_62 : vector<500x128xi8> to vector<1x500x128xi8>
    tpu.vector_store %arg12[%swap3A_63, %swap3A_64, %swap3A_65], %swap3A_68 {strides = array<i32>} : memref<1x500x128xi8, #tpu.memory_space<vmem>>, vector<1x500x128xi8>,
    return
  }
  func.func @transform_0(%arg0: i32) -> (i32, i32, i32) {
    %c0_i32 = arith.constant 0 : i32
    %c0_i32_0 = arith.constant 0 : i32
    %c0_i32_1 = arith.constant 0 : i32
    return %arg0, %c0_i32, %c0_i32_0 : i32, i32, i32
  }
  func.func @transform_1(%arg0: i32) -> (i32, i32, i32) {
    %c0_i32 = arith.constant 0 : i32
    %c0_i32_0 = arith.constant 0 : i32
    %c0_i32_1 = arith.constant 0 : i32
    return %arg0, %c0_i32, %c0_i32_0 : i32, i32, i32
  }
  func.func @transform_2(%arg0: i32) -> (i32, i32, i32) {
    %c0_i32 = arith.constant 0 : i32
    %c0_i32_0 = arith.constant 0 : i32
    %c0_i32_1 = arith.constant 0 : i32
    return %arg0, %c0_i32, %c0_i32_0 : i32, i32, i32
  }
  func.func @transform_3(%arg0: i32) -> (i32, i32) {
    %c0_i32 = arith.constant 0 : i32
    %c0_i32_0 = arith.constant 0 : i32
    %c0_i32_1 = arith.constant 0 : i32
    return %c0_i32, %c0_i32_0 : i32, i32
  }
  func.func @transform_4(%arg0: i32) -> (i32, i32) {
    %c0_i32 = arith.constant 0 : i32
    %c0_i32_0 = arith.constant 0 : i32
    %c0_i32_1 = arith.constant 0 : i32
    return %c0_i32, %c0_i32_0 : i32, i32
  }
  func.func @transform_5(%arg0: i32) -> (i32, i32) {
    %c0_i32 = arith.constant 0 : i32
    %c0_i32_0 = arith.constant 0 : i32
    %c0_i32_1 = arith.constant 0 : i32
    return %c0_i32, %c0_i32_0 : i32, i32
  }
  func.func @transform_6(%arg0: i32) -> (i32, i32) {
    %c0_i32 = arith.constant 0 : i32
    %c0_i32_0 = arith.constant 0 : i32
    %c0_i32_1 = arith.constant 0 : i32
    return %c0_i32, %c0_i32_0 : i32, i32
  }
  func.func @transform_7(%arg0: i32) -> (i32, i32) {
    %c0_i32 = arith.constant 0 : i32
    %c0_i32_0 = arith.constant 0 : i32
    %c0_i32_1 = arith.constant 0 : i32
    return %c0_i32, %c0_i32_0 : i32, i32
  }
  func.func @transform_8(%arg0: i32) -> (i32, i32) {
    %c0_i32 = arith.constant 0 : i32
    %c0_i32_0 = arith.constant 0 : i32
    %c0_i32_1 = arith.constant 0 : i32
    return %c0_i32, %c0_i32_0 : i32, i32
  }
  func.func @transform_9(%arg0: i32) -> (i32, i32) {
    %c0_i32 = arith.constant 0 : i32
    %c0_i32_0 = arith.constant 0 : i32
    %c0_i32_1 = arith.constant 0 : i32
    return %c0_i32, %c0_i32_0 : i32, i32
  }
  func.func @transform_10(%arg0: i32) -> (i32, i32, i32) {
    %c0_i32 = arith.constant 0 : i32
    %c0_i32_0 = arith.constant 0 : i32
    %c0_i32_1 = arith.constant 0 : i32
    return %arg0, %c0_i32, %c0_i32_0 : i32, i32, i32
  }
  func.func @transform_11(%arg0: i32) -> (i32, i32, i32) {
    %c0_i32 = arith.constant 0 : i32
    %c0_i32_0 = arith.constant 0 : i32
    %c0_i32_1 = arith.constant 0 : i32
    return %arg0, %c0_i32, %c0_i32_0 : i32, i32, i32
  }
}

module attributes {stable_mosaic.version = 14 : i64} {
  func.func @_upd_body(%arg0: i32, %arg1: memref<4096x32xf32, #tpu.memory_space<vmem>>, %arg2: memref<4096x48xf32, #tpu.memory_space<vmem>>, %arg3: memref<4096x16xf32, #tpu.memory_space<vmem>>, %arg4: memref<96x32xf32, #tpu.memory_space<vmem>>, %arg5: memref<1x32xf32, #tpu.memory_space<vmem>>, %arg6: memref<32x8xf32, #tpu.memory_space<vmem>>, %arg7: memref<1x8xf32, #tpu.memory_space<vmem>>, %arg8: memref<4096x8xf32, #tpu.memory_space<vmem>>) attributes {dimension_semantics = [#tpu.dimension_semantics<arbitrary>], iteration_bounds = array<i64: 4>, scalar_prefetch = 0 : i64, scratch_operands = 0 : i64, tpu.core_type = #tpu.core_type<tc>, window_params = [{transform_indices = @transform_0, window_bounds = array<i64: 4096, 32>}, {transform_indices = @transform_1, window_bounds = array<i64: 4096, 48>}, {transform_indices = @transform_2, window_bounds = array<i64: 4096, 16>}, {pipeline_mode = #tpu.pipeline_mode<synchronous>, transform_indices = @transform_3, window_bounds = array<i64: 96, 32>}, {pipeline_mode = #tpu.pipeline_mode<synchronous>, transform_indices = @transform_4, window_bounds = array<i64: 1, 32>}, {pipeline_mode = #tpu.pipeline_mode<synchronous>, transform_indices = @transform_5, window_bounds = array<i64: 32, 8>}, {pipeline_mode = #tpu.pipeline_mode<synchronous>, transform_indices = @transform_6, window_bounds = array<i64: 1, 8>}, {transform_indices = @transform_7, window_bounds = array<i64: 4096, 8>}]} {
    %get3A = arith.constant 0 : index
    %get3A_0 = arith.constant 0 : index
    %get3A_1 = vector.load %arg1[%get3A, %get3A_0] : memref<4096x32xf32, #tpu.memory_space<vmem>>, vector<4096x32xf32>
    %get3A_2 = arith.constant 0 : index
    %get3A_3 = arith.constant 0 : index
    %get3A_4 = vector.load %arg2[%get3A_2, %get3A_3] : memref<4096x48xf32, #tpu.memory_space<vmem>>, vector<4096x48xf32>
    %get3A_5 = arith.constant 0 : index
    %get3A_6 = arith.constant 0 : index
    %get3A_7 = vector.load %arg3[%get3A_5, %get3A_6] : memref<4096x16xf32, #tpu.memory_space<vmem>>, vector<4096x16xf32>
    %concatenate3A = tpu.concatenate %get3A_1, %get3A_4, %get3A_7 in 1 : vector<4096x32xf32>, vector<4096x48xf32>, vector<4096x16xf32> -> vector<4096x96xf32>
    %get3A_8 = arith.constant 0 : index
    %get3A_9 = arith.constant 0 : index
    %get3A_10 = vector.load %arg4[%get3A_8, %get3A_9] : memref<96x32xf32, #tpu.memory_space<vmem>>, vector<96x32xf32>
    %dot_general3A = arith.constant dense<0.000000e+00> : vector<4096x32xf32>
    %dot_general3A_11 = tpu.matmul %concatenate3A, %get3A_10, %dot_general3A {dimension_numbers = #tpu.dot_dimension_numbers<[1], [0], [0], [1], [0, 0, 1, 1], [], []>, transpose_lhs_hint = false} : vector<4096x96xf32>, vector<96x32xf32>, vector<4096x32xf32> -> vector<4096x32xf32>
    %get3A_12 = arith.constant 0 : index
    %get3A_13 = arith.constant 0 : index
    %get3A_14 = vector.load %arg5[%get3A_12, %get3A_13] : memref<1x32xf32, #tpu.memory_space<vmem>>, vector<1x32xf32>
    %add3A = vector.broadcast %get3A_14 : vector<1x32xf32> to vector<4096x32xf32>
    %add3A_15 = arith.addf %dot_general3A_11, %add3A : vector<4096x32xf32>
    %max3A = arith.constant 0.000000e+00 : f32
    %max3A_16 = vector.broadcast %max3A : f32 to vector<4096x32xf32>
    %max3A_17 = arith.maximumf %add3A_15, %max3A_16 : vector<4096x32xf32>
    %get3A_18 = arith.constant 0 : index
    %get3A_19 = arith.constant 0 : index
    %get3A_20 = vector.load %arg6[%get3A_18, %get3A_19] : memref<32x8xf32, #tpu.memory_space<vmem>>, vector<32x8xf32>
    %dot_general3A_21 = arith.constant dense<0.000000e+00> : vector<4096x8xf32>
    %dot_general3A_22 = tpu.matmul %max3A_17, %get3A_20, %dot_general3A_21 {dimension_numbers = #tpu.dot_dimension_numbers<[1], [0], [0], [1], [0, 0, 1, 1], [], []>, transpose_lhs_hint = false} : vector<4096x32xf32>, vector<32x8xf32>, vector<4096x8xf32> -> vector<4096x8xf32>
    %get3A_23 = arith.constant 0 : index
    %get3A_24 = arith.constant 0 : index
    %get3A_25 = vector.load %arg7[%get3A_23, %get3A_24] : memref<1x8xf32, #tpu.memory_space<vmem>>, vector<1x8xf32>
    %add3A_26 = vector.broadcast %get3A_25 : vector<1x8xf32> to vector<4096x8xf32>
    %add3A_27 = arith.addf %dot_general3A_22, %add3A_26 : vector<4096x8xf32>
    %swap3A = arith.constant 0 : index
    %swap3A_28 = arith.constant 0 : index
    %swap3A_29 = vector.load %arg8[%swap3A, %swap3A_28] : memref<4096x8xf32, #tpu.memory_space<vmem>>, vector<4096x8xf32>
    tpu.vector_store %arg8[%swap3A, %swap3A_28], %add3A_27 {strides = array<i32>} : memref<4096x8xf32, #tpu.memory_space<vmem>>, vector<4096x8xf32>,
    return
  }
  func.func @transform_0(%arg0: i32) -> (i32, i32) {
    %c0_i32 = arith.constant 0 : i32
    %c0_i32_0 = arith.constant 0 : i32
    return %arg0, %c0_i32 : i32, i32
  }
  func.func @transform_1(%arg0: i32) -> (i32, i32) {
    %c0_i32 = arith.constant 0 : i32
    %c0_i32_0 = arith.constant 0 : i32
    return %arg0, %c0_i32 : i32, i32
  }
  func.func @transform_2(%arg0: i32) -> (i32, i32) {
    %c0_i32 = arith.constant 0 : i32
    %c0_i32_0 = arith.constant 0 : i32
    return %arg0, %c0_i32 : i32, i32
  }
  func.func @transform_3(%arg0: i32) -> (i32, i32) {
    %c0_i32 = arith.constant 0 : i32
    %c0_i32_0 = arith.constant 0 : i32
    %c0_i32_1 = arith.constant 0 : i32
    return %c0_i32, %c0_i32_0 : i32, i32
  }
  func.func @transform_4(%arg0: i32) -> (i32, i32) {
    %c0_i32 = arith.constant 0 : i32
    %c0_i32_0 = arith.constant 0 : i32
    %c0_i32_1 = arith.constant 0 : i32
    return %c0_i32, %c0_i32_0 : i32, i32
  }
  func.func @transform_5(%arg0: i32) -> (i32, i32) {
    %c0_i32 = arith.constant 0 : i32
    %c0_i32_0 = arith.constant 0 : i32
    %c0_i32_1 = arith.constant 0 : i32
    return %c0_i32, %c0_i32_0 : i32, i32
  }
  func.func @transform_6(%arg0: i32) -> (i32, i32) {
    %c0_i32 = arith.constant 0 : i32
    %c0_i32_0 = arith.constant 0 : i32
    %c0_i32_1 = arith.constant 0 : i32
    return %c0_i32, %c0_i32_0 : i32, i32
  }
  func.func @transform_7(%arg0: i32) -> (i32, i32) {
    %c0_i32 = arith.constant 0 : i32
    %c0_i32_0 = arith.constant 0 : i32
    return %arg0, %c0_i32 : i32, i32
  }
}

module attributes {stable_mosaic.version = 14 : i64} {
  func.func @_fin_body(%arg0: i32, %arg1: i32, %arg2: memref<1x500x128xf32, #tpu.memory_space<vmem>>, %arg3: memref<1x500x128xi8, #tpu.memory_space<vmem>>, %arg4: memref<1x500x128xf32, #tpu.memory_space<vmem>>, %arg5: memref<1x500x128xf32, #tpu.memory_space<vmem>>, %arg6: memref<1x1xi32, #tpu.memory_space<smem>>, %arg7: memref<4xf32, #tpu.memory_space<smem>>, %arg8: memref<1xi32, #tpu.memory_space<smem>>) attributes {dimension_semantics = [#tpu.dimension_semantics<arbitrary>, #tpu.dimension_semantics<arbitrary>], iteration_bounds = array<i64: 2, 125>, scalar_prefetch = 0 : i64, scratch_operands = 2 : i64, tpu.core_type = #tpu.core_type<tc>, window_params = [{transform_indices = @transform_0, window_bounds = array<i64: 1, 500, 128>}, {transform_indices = @transform_1, window_bounds = array<i64: 1, 500, 128>}, {transform_indices = @transform_2, window_bounds = array<i64: 1, 500, 128>}, {transform_indices = @transform_3, window_bounds = array<i64: 1, 500, 128>}, {transform_indices = @transform_4, window_bounds = array<i64: 1, 1>}]} {
    %eq3A = arith.constant 0 : i32
    %eq3A_0 = arith.cmpi eq, %arg0, %eq3A : i32
    %eq3A_1 = arith.constant 0 : i32
    %eq3A_2 = arith.cmpi eq, %arg1, %eq3A_1 : i32
    %and3A = arith.andi %eq3A_0, %eq3A_2 : i1
    %convert_element_type3A = arith.extui %and3A : i1 to i32
    %cond3A = arith.constant 0 : i32
    %cond3A_3 = arith.cmpi ne, %convert_element_type3A, %cond3A : i32
    scf.if %cond3A_3 {
      %swap3A = arith.constant -3.40282347E+38 : f32
      %swap3A_23 = arith.constant 0 : index
      %swap3A_24 = memref.load %arg7[%swap3A_23] : memref<4xf32, #tpu.memory_space<smem>>
      memref.store %swap3A, %arg7[%swap3A_23] : memref<4xf32, #tpu.memory_space<smem>>
      %swap3A_25 = arith.constant 0.000000e+00 : f32
      %swap3A_26 = arith.constant 1 : index
      %swap3A_27 = memref.load %arg7[%swap3A_26] : memref<4xf32, #tpu.memory_space<smem>>
      memref.store %swap3A_25, %arg7[%swap3A_26] : memref<4xf32, #tpu.memory_space<smem>>
      %swap3A_28 = arith.constant 0.000000e+00 : f32
      %swap3A_29 = arith.constant 2 : index
      %swap3A_30 = memref.load %arg7[%swap3A_29] : memref<4xf32, #tpu.memory_space<smem>>
      memref.store %swap3A_28, %arg7[%swap3A_29] : memref<4xf32, #tpu.memory_space<smem>>
      %swap3A_31 = arith.constant -3.40282347E+38 : f32
      %swap3A_32 = arith.constant 3 : index
      %swap3A_33 = memref.load %arg7[%swap3A_32] : memref<4xf32, #tpu.memory_space<smem>>
      memref.store %swap3A_31, %arg7[%swap3A_32] : memref<4xf32, #tpu.memory_space<smem>>
      %swap3A_34 = arith.constant 2147483647 : i32
      %swap3A_35 = arith.constant 0 : index
      %swap3A_36 = memref.load %arg8[%swap3A_35] : memref<1xi32, #tpu.memory_space<smem>>
      memref.store %swap3A_34, %arg8[%swap3A_35] : memref<1xi32, #tpu.memory_space<smem>>
    } else {
    }
    %get3A = arith.constant 0 : index
    %get3A_4 = arith.constant 0 : index
    %get3A_5 = arith.constant 0 : index
    %get3A_6 = vector.load %arg2[%get3A, %get3A_4, %get3A_5] : memref<1x500x128xf32, #tpu.memory_space<vmem>>, vector<1x500x128xf32>
    %get3A_7 = arith.constant 0 : index
    %get3A_8 = arith.constant 0 : index
    %get3A_9 = arith.constant 0 : index
    %get3A_10 = vector.load %arg3[%get3A_7, %get3A_8, %get3A_9] : memref<1x500x128xi8, #tpu.memory_space<vmem>>, vector<1x500x128xi8>
    %ne3A = arith.constant 0 : i8
    %ne3A_11 = vector.broadcast %ne3A : i8 to vector<1x500x128xi8>
    %ne3A_12 = arith.cmpi ne, %get3A_10, %ne3A_11 : vector<1x500x128xi8>
    %eq3A_13 = arith.constant 0 : i32
    %eq3A_14 = arith.cmpi eq, %arg0, %eq3A_13 : i32
    %convert_element_type3A_15 = arith.extui %eq3A_14 : i1 to i32
    %cond3A_16 = arith.constant 0 : i32
    %cond3A_17 = arith.cmpi ne, %convert_element_type3A_15, %cond3A_16 : i32
    scf.if %cond3A_17 {
      %get3A_23 = arith.constant 0 : index
      %get3A_24 = memref.load %arg7[%get3A_23] : memref<4xf32, #tpu.memory_space<smem>>
      %reduce_max3A = vector.shape_cast %get3A_6 : vector<1x500x128xf32> to vector<1x1x500x128xf32>
      %reduce_max3A_25 = arith.constant dense<0xFF800000> : vector<1xf32>
      %reduce_max3A_26 = vector.multi_reduction <maximumf>, %reduce_max3A, %reduce_max3A_25 [1, 2, 3] : vector<1x1x500x128xf32> to vector<1xf32>
      %reduce_max3A_27 = vector.shape_cast %reduce_max3A_26 : vector<1xf32> to vector<1x1x1x1xf32>
      %reduce_max3A_28 = vector.extract %reduce_max3A_27[0, 0, 0, 0] : f32 from vector<1x1x1x1xf32>
      %max3A = arith.maximumf %get3A_24, %reduce_max3A_28 : f32
      %sub3A = vector.broadcast %max3A : f32 to vector<1x500x128xf32>
      %sub3A_29 = arith.subf %get3A_6, %sub3A : vector<1x500x128xf32>
      %exp3A = math.exp %sub3A_29 : vector<1x500x128xf32>
      %reduce_sum3A = vector.shape_cast %exp3A : vector<1x500x128xf32> to vector<1x1x500x128xf32>
      %reduce_sum3A_30 = arith.constant dense<0.000000e+00> : vector<1xf32>
      %reduce_sum3A_31 = vector.multi_reduction <add>, %reduce_sum3A, %reduce_sum3A_30 [1, 2, 3] : vector<1x1x500x128xf32> to vector<1xf32>
      %reduce_sum3A_32 = vector.shape_cast %reduce_sum3A_31 : vector<1xf32> to vector<1x1x1x1xf32>
      %reduce_sum3A_33 = vector.extract %reduce_sum3A_32[0, 0, 0, 0] : f32 from vector<1x1x1x1xf32>
      %jit3A = arith.constant 0.000000e+00 : f32
      %broadcast_in_dim3A = vector.broadcast %jit3A : f32 to vector<1x500x128xf32>
      %select_n3A = arith.select %ne3A_12, %broadcast_in_dim3A, %exp3A : vector<1x500x128xi1>, vector<1x500x128xf32>
      %reduce_sum3A_34 = vector.shape_cast %select_n3A : vector<1x500x128xf32> to vector<1x1x500x128xf32>
      %reduce_sum3A_35 = arith.constant dense<0.000000e+00> : vector<1xf32>
      %reduce_sum3A_36 = vector.multi_reduction <add>, %reduce_sum3A_34, %reduce_sum3A_35 [1, 2, 3] : vector<1x1x500x128xf32> to vector<1xf32>
      %reduce_sum3A_37 = vector.shape_cast %reduce_sum3A_36 : vector<1xf32> to vector<1x1x1x1xf32>
      %reduce_sum3A_38 = vector.extract %reduce_sum3A_37[0, 0, 0, 0] : f32 from vector<1x1x1x1xf32>
      %sub3A_39 = arith.subf %get3A_24, %max3A : f32
      %broadcast_in_dim3A_40 = vector.broadcast %sub3A_39 : f32 to vector<8x128xf32>
      %exp3A_41 = math.exp %broadcast_in_dim3A_40 : vector<8x128xf32>
      %reduce_max3A_42 = vector.shape_cast %exp3A_41 : vector<8x128xf32> to vector<1x8x128xf32>
      %reduce_max3A_43 = arith.constant dense<0xFF800000> : vector<1xf32>
      %reduce_max3A_44 = vector.multi_reduction <maximumf>, %reduce_max3A_42, %reduce_max3A_43 [1, 2] : vector<1x8x128xf32> to vector<1xf32>
      %reduce_max3A_45 = vector.shape_cast %reduce_max3A_44 : vector<1xf32> to vector<1x1x1xf32>
      %reduce_max3A_46 = vector.extract %reduce_max3A_45[0, 0, 0] : f32 from vector<1x1x1xf32>
      %get3A_47 = arith.constant 1 : index
      %get3A_48 = memref.load %arg7[%get3A_47] : memref<4xf32, #tpu.memory_space<smem>>
      %mul3A = arith.mulf %get3A_48, %reduce_max3A_46 : f32
      %add3A = arith.addf %mul3A, %reduce_sum3A_33 : f32
      %swap3A = arith.constant 1 : index
      %swap3A_49 = memref.load %arg7[%swap3A] : memref<4xf32, #tpu.memory_space<smem>>
      memref.store %add3A, %arg7[%swap3A] : memref<4xf32, #tpu.memory_space<smem>>
      %get3A_50 = arith.constant 2 : index
      %get3A_51 = memref.load %arg7[%get3A_50] : memref<4xf32, #tpu.memory_space<smem>>
      %mul3A_52 = arith.mulf %get3A_51, %reduce_max3A_46 : f32
      %add3A_53 = arith.addf %mul3A_52, %reduce_sum3A_38 : f32
      %swap3A_54 = arith.constant 2 : index
      %swap3A_55 = memref.load %arg7[%swap3A_54] : memref<4xf32, #tpu.memory_space<smem>>
      memref.store %add3A_53, %arg7[%swap3A_54] : memref<4xf32, #tpu.memory_space<smem>>
      %swap3A_56 = arith.constant 0 : index
      %swap3A_57 = memref.load %arg7[%swap3A_56] : memref<4xf32, #tpu.memory_space<smem>>
      memref.store %max3A, %arg7[%swap3A_56] : memref<4xf32, #tpu.memory_space<smem>>
      %jit3A_58 = arith.constant -3.40282347E+38 : f32
      %broadcast_in_dim3A_59 = vector.broadcast %jit3A_58 : f32 to vector<1x500x128xf32>
      %select_n3A_60 = arith.select %ne3A_12, %broadcast_in_dim3A_59, %get3A_6 : vector<1x500x128xi1>, vector<1x500x128xf32>
      %reduce_max3A_61 = vector.shape_cast %select_n3A_60 : vector<1x500x128xf32> to vector<1x1x500x128xf32>
      %reduce_max3A_62 = arith.constant dense<0xFF800000> : vector<1xf32>
      %reduce_max3A_63 = vector.multi_reduction <maximumf>, %reduce_max3A_61, %reduce_max3A_62 [1, 2, 3] : vector<1x1x500x128xf32> to vector<1xf32>
      %reduce_max3A_64 = vector.shape_cast %reduce_max3A_63 : vector<1xf32> to vector<1x1x1x1xf32>
      %reduce_max3A_65 = vector.extract %reduce_max3A_64[0, 0, 0, 0] : f32 from vector<1x1x1x1xf32>
      %iota3A = tpu.iota {dimensions = array<i32: 1>} : vector<1x500x128xi32>
      %iota3A_66 = tpu.iota {dimensions = array<i32: 2>} : vector<1x500x128xi32>
      %mul3A_67 = arith.constant 500 : i32
      %mul3A_68 = arith.muli %arg1, %mul3A_67 : i32
      %add3A_69 = vector.broadcast %mul3A_68 : i32 to vector<1x500x128xi32>
      %add3A_70 = arith.addi %add3A_69, %iota3A : vector<1x500x128xi32>
      %mul3A_71 = arith.constant 128 : i32
      %mul3A_72 = vector.broadcast %mul3A_71 : i32 to vector<1x500x128xi32>
      %mul3A_73 = arith.muli %add3A_70, %mul3A_72 : vector<1x500x128xi32>
      %add3A_74 = arith.addi %mul3A_73, %iota3A_66 : vector<1x500x128xi32>
      %eq3A_75 = vector.broadcast %reduce_max3A_65 : f32 to vector<1x500x128xf32>
      %eq3A_76 = arith.cmpf oeq, %select_n3A_60, %eq3A_75 : vector<1x500x128xf32>
      %jit3A_77 = arith.constant 2147483647 : i32
      %broadcast_in_dim3A_78 = vector.broadcast %jit3A_77 : i32 to vector<1x500x128xi32>
      %select_n3A_79 = arith.select %eq3A_76, %add3A_74, %broadcast_in_dim3A_78 : vector<1x500x128xi1>, vector<1x500x128xi32>
      %reduce_min3A = vector.shape_cast %select_n3A_79 : vector<1x500x128xi32> to vector<1x1x500x128xi32>
      %reduce_min3A_80 = arith.constant dense<2147483647> : vector<1xi32>
      %reduce_min3A_81 = vector.multi_reduction <minsi>, %reduce_min3A, %reduce_min3A_80 [1, 2, 3] : vector<1x1x500x128xi32> to vector<1xi32>
      %reduce_min3A_82 = vector.shape_cast %reduce_min3A_81 : vector<1xi32> to vector<1x1x1x1xi32>
      %reduce_min3A_83 = vector.extract %reduce_min3A_82[0, 0, 0, 0] : i32 from vector<1x1x1x1xi32>
      %get3A_84 = arith.constant 3 : index
      %get3A_85 = memref.load %arg7[%get3A_84] : memref<4xf32, #tpu.memory_space<smem>>
      %get3A_86 = arith.constant 0 : index
      %get3A_87 = memref.load %arg8[%get3A_86] : memref<1xi32, #tpu.memory_space<smem>>
      %max3A_88 = arith.maximumf %get3A_85, %reduce_max3A_65 : f32
      %swap3A_89 = arith.constant 3 : index
      %swap3A_90 = memref.load %arg7[%swap3A_89] : memref<4xf32, #tpu.memory_space<smem>>
      memref.store %max3A_88, %arg7[%swap3A_89] : memref<4xf32, #tpu.memory_space<smem>>
      %gt3A = arith.cmpf ogt, %reduce_max3A_65, %get3A_85 : f32
      %eq3A_91 = arith.cmpf oeq, %reduce_max3A_65, %get3A_85 : f32
      %min3A = arith.minsi %get3A_87, %reduce_min3A_83 : i32
      %select_n3A_92 = arith.select %eq3A_91, %min3A, %get3A_87 : i32
      %select_n3A_93 = arith.select %gt3A, %reduce_min3A_83, %select_n3A_92 : i32
      %swap3A_94 = arith.constant 0 : index
      %swap3A_95 = memref.load %arg8[%swap3A_94] : memref<1xi32, #tpu.memory_space<smem>>
      memref.store %select_n3A_93, %arg8[%swap3A_94] : memref<1xi32, #tpu.memory_space<smem>>
    } else {
    }
    %eq3A_18 = arith.constant 1 : i32
    %eq3A_19 = arith.cmpi eq, %arg0, %eq3A_18 : i32
    %convert_element_type3A_20 = arith.extui %eq3A_19 : i1 to i32
    %cond3A_21 = arith.constant 0 : i32
    %cond3A_22 = arith.cmpi ne, %convert_element_type3A_20, %cond3A_21 : i32
    scf.if %cond3A_22 {
      %get3A_23 = arith.constant 0 : index
      %get3A_24 = memref.load %arg7[%get3A_23] : memref<4xf32, #tpu.memory_space<smem>>
      %sub3A = vector.broadcast %get3A_24 : f32 to vector<1x500x128xf32>
      %sub3A_25 = arith.subf %get3A_6, %sub3A : vector<1x500x128xf32>
      %exp3A = math.exp %sub3A_25 : vector<1x500x128xf32>
      %get3A_26 = arith.constant 1 : index
      %get3A_27 = memref.load %arg7[%get3A_26] : memref<4xf32, #tpu.memory_space<smem>>
      %div3A = vector.broadcast %get3A_27 : f32 to vector<1x500x128xf32>
      %div3A_28 = arith.divf %exp3A, %div3A : vector<1x500x128xf32>
      %add3A = arith.constant 9.99999993E-9 : f32
      %add3A_29 = vector.broadcast %add3A : f32 to vector<1x500x128xf32>
      %add3A_30 = arith.addf %div3A_28, %add3A_29 : vector<1x500x128xf32>
      %log3A = math.log %add3A_30 : vector<1x500x128xf32>
      %jit3A = arith.constant -1.000000e+09 : f32
      %broadcast_in_dim3A = vector.broadcast %jit3A : f32 to vector<1x500x128xf32>
      %select_n3A = arith.select %ne3A_12, %broadcast_in_dim3A, %log3A : vector<1x500x128xi1>, vector<1x500x128xf32>
      %swap3A = arith.constant 0 : index
      %swap3A_31 = arith.constant 0 : index
      %swap3A_32 = arith.constant 0 : index
      %swap3A_33 = vector.load %arg4[%swap3A, %swap3A_31, %swap3A_32] : memref<1x500x128xf32, #tpu.memory_space<vmem>>, vector<1x500x128xf32>
      tpu.vector_store %arg4[%swap3A, %swap3A_31, %swap3A_32], %select_n3A {strides = array<i32>} : memref<1x500x128xf32, #tpu.memory_space<vmem>>, vector<1x500x128xf32>,
      %get3A_34 = arith.constant 2 : index
      %get3A_35 = memref.load %arg7[%get3A_34] : memref<4xf32, #tpu.memory_space<smem>>
      %div3A_36 = vector.broadcast %get3A_35 : f32 to vector<1x500x128xf32>
      %div3A_37 = arith.divf %exp3A, %div3A_36 : vector<1x500x128xf32>
      %jit3A_38 = arith.constant 0.000000e+00 : f32
      %broadcast_in_dim3A_39 = vector.broadcast %jit3A_38 : f32 to vector<1x500x128xf32>
      %select_n3A_40 = arith.select %ne3A_12, %broadcast_in_dim3A_39, %div3A_37 : vector<1x500x128xi1>, vector<1x500x128xf32>
      %swap3A_41 = arith.constant 0 : index
      %swap3A_42 = arith.constant 0 : index
      %swap3A_43 = arith.constant 0 : index
      %swap3A_44 = vector.load %arg5[%swap3A_41, %swap3A_42, %swap3A_43] : memref<1x500x128xf32, #tpu.memory_space<vmem>>, vector<1x500x128xf32>
      tpu.vector_store %arg5[%swap3A_41, %swap3A_42, %swap3A_43], %select_n3A_40 {strides = array<i32>} : memref<1x500x128xf32, #tpu.memory_space<vmem>>, vector<1x500x128xf32>,
      %eq3A_45 = arith.constant 0 : i32
      %eq3A_46 = arith.cmpi eq, %arg1, %eq3A_45 : i32
      %convert_element_type3A_47 = arith.extui %eq3A_46 : i1 to i32
      %cond3A_48 = arith.constant 0 : i32
      %cond3A_49 = arith.cmpi ne, %convert_element_type3A_47, %cond3A_48 : i32
      scf.if %cond3A_49 {
        %get3A_50 = arith.constant 0 : index
        %get3A_51 = memref.load %arg8[%get3A_50] : memref<1xi32, #tpu.memory_space<smem>>
        %swap3A_52 = arith.constant 0 : index
        %swap3A_53 = arith.constant 0 : index
        %swap3A_54 = memref.load %arg6[%swap3A_52, %swap3A_53] : memref<1x1xi32, #tpu.memory_space<smem>>
        memref.store %get3A_51, %arg6[%swap3A_52, %swap3A_53] : memref<1x1xi32, #tpu.memory_space<smem>>
      } else {
      }
    } else {
    }
    return
  }
  func.func @transform_0(%arg0: i32, %arg1: i32) -> (i32, i32, i32) {
    %c0_i32 = arith.constant 0 : i32
    %c0_i32_0 = arith.constant 0 : i32
    %c0_i32_1 = arith.constant 0 : i32
    return %arg1, %c0_i32, %c0_i32_0 : i32, i32, i32
  }
  func.func @transform_1(%arg0: i32, %arg1: i32) -> (i32, i32, i32) {
    %c0_i32 = arith.constant 0 : i32
    %c0_i32_0 = arith.constant 0 : i32
    %c0_i32_1 = arith.constant 0 : i32
    return %arg1, %c0_i32, %c0_i32_0 : i32, i32, i32
  }
  func.func @transform_2(%arg0: i32, %arg1: i32) -> (i32, i32, i32) {
    %mul3A = arith.muli %arg0, %arg1 : i32
    %c0_i32 = arith.constant 0 : i32
    %c0_i32_0 = arith.constant 0 : i32
    %c0_i32_1 = arith.constant 0 : i32
    return %mul3A, %c0_i32, %c0_i32_0 : i32, i32, i32
  }
  func.func @transform_3(%arg0: i32, %arg1: i32) -> (i32, i32, i32) {
    %mul3A = arith.muli %arg0, %arg1 : i32
    %c0_i32 = arith.constant 0 : i32
    %c0_i32_0 = arith.constant 0 : i32
    %c0_i32_1 = arith.constant 0 : i32
    return %mul3A, %c0_i32, %c0_i32_0 : i32, i32, i32
  }
  func.func @transform_4(%arg0: i32, %arg1: i32) -> (i32, i32) {
    %c0_i32 = arith.constant 0 : i32
    %c0_i32_0 = arith.constant 0 : i32
    %c0_i32_1 = arith.constant 0 : i32
    return %c0_i32, %c0_i32_0 : i32, i32
  }
}

</mosaic_0001>

<sc_bundles>
// kernel: kernel.10.cloned.1.call-start
scs
__scs_entry_jumppad:
0x0: {  	(pc) =	sbr.rel $0x88, $3  }
0x1: {  	(tag) =	ssettag $0x0;
	lr =	simm.s32 $0x1  }
0x2: {  	[smem:$0x3F95] =	sst lr;
	_ =	strace $0xD0000000  }
0x3: {  	_ = 	snop  }
0x4: {  	_ = 	snop  }
0x5: {  	_ = 	snop  }
0x6: {  	_ = 	snop  }
0x7: {  	_ = 	snop  }
__scs_overlays_trampoline_lowered:
0x8: {  	[smem:$0x3FA4] =	sst s0  }
0x9: {  	[smem:$0x3FA5] =	sst s1  }
0xa: {  	[smem:$0x3FA6] =	sst s2  }
0xb: {  	[smem:$0x3FA7] =	sst s3  }
0xc: {  	[smem:$0x3FA8] =	sst s4  }
0xd: {  	[smem:$0x3FA9] =	sst s5  }
0xe: {  	[smem:$0x3FAA] =	sst s6  }
0xf: {  	[smem:$0x3FAB] =	sst s7  }
0x10: {  	[smem:$0x3FAC] =	sst s8  }
0x11: {  	[smem:$0x3FAD] =	sst s9;
	s0 =	simm.s32 @!p0 $0x0  }
0x12: {  	s1 =	sld [smem:$0x3F93];
	s0 =	simm.s32 @p0 $0x1  }
0x13: {  	[smem:$0x3FAE] =	sst s0;
	s0 =	simm.s32 @!p1 $0x0  }
0x14: {  	s2 =	sld [smem:$0x3F92];
	s0 =	simm.s32 @p1 $0x1  }
0x15: {  	[smem:$0x3FAF] =	sst s0;
	s0 =	simm.s32 @!p2 $0x0  }
0x16: {  	s3 =	sld [smem:$0x3FDB];
	s0 =	simm.s32 @p2 $0x1  }
0x17: {  	s4 =	simm.s32 $0x1BF5;
	[smem:$0x3FB1] =	sst s0  }
0x18: {  	s0 =	sld [smem:$0x3F94];
	_ =	swait.ge [sflag:s4], $0x0  }
0x19: {  	s7 =	sld [smem:$0x3F95]  }
0x1a: {  	s8 =	sadd.s32 $0xFFFFE003, lr  }
0x1b: {  	s9 =	sadd.s32 $0xFFFFFEF7, lr;
	s5 =	simm.s32 $0xFFFFFFFF;
	p2 =	slt.u32 s8, $0xFFFFF086  }
0x1c: {  	p1 =	slt.u32 s9, $0xF7A;
	s5 =	simm.s32 @!p2 $0x0  }
0x1d: {  	s5 =	simm.s32 @p1 $0x1;
	p0 =	seq.s32 s7, s2  }
0x1e: {  	s7 =	smul.u32 @!p0 $0xF7A, s2;
	p2 =	seq.s32 @!p0 s5, $0x0  }
0x1f: {  	s9 =	smul.u32 $0xF7A, s1;
	s8 =	simm.s32 @!p0 $0x1BF5;
	p2 =	por !p2, p0  }
0x20: {  	[sflag:s8] =	ssyncset.s32 @!p0 $0xFFFFF086;
	s6 =	sadd.s32 @!p0 s3, s7;
	s7 =	simm.s32 @!p0 $0x108  }
0x21: {  	s3 =	sadd.s32 s3, s9;
	s6 =	sadd.s32 @!p0 $0x88, s6;
	s7 =	simm.s32 @p2 $0x1082  }
0x22: {  	[simem:s7], [sflag:s8] =	dma.local @!p0 [hbm:s6], $0xF7A  }
0x23: {  	s9 =	sor.u32 $0xD0000000, s2;
	s6 =	simm.s32 $0x108;
	_ =	swait.ge @!p0 [sflag:s8], $0x0  }
0x24: {  	s3 =	sadd.s32 $0x88, s3;
	s6 =	simm.s32 @!p1 $0x1082;
	[sflag:s4] =	ssyncset.s32 $0xFFFFF086  }
0x25: {  	[simem:s6], [sflag:s4] =	dma.local [hbm:s3], $0xF7A  }
0x26: {  	[smem:$0x3F95] =	sst s1;
	(tag) =	ssettag s2;
	_ =	strace s9  }
0x27: {  	s1 =	sld [smem:$0x3FA5]  }
0x28: {  	s2 =	sld [smem:$0x3FA6]  }
0x29: {  	s4 =	sld [smem:$0x3FA8]  }
0x2a: {  	p0 =	seq.s32 s5, $0x0;
	s5 =	sld [smem:$0x3FA9]  }
0x2b: {  	s6 =	sld [smem:$0x3FAA]  }
0x2c: {  	s7 =	sld [smem:$0x3FAB]  }
0x2d: {  	s3 =	simm.s32 $0x108;
	s8 =	sld [smem:$0x3FAC]  }
0x2e: {  	s3 =	simm.s32 @!p0 $0x1082;
	s9 =	sld [smem:$0x3FAD]  }
0x2f: {  	lr =	sadd.s32 s0, s3;
	s0 =	sld [smem:$0x3FA4]  }
0x30: {  	s3 =	sld [smem:$0x3FA7]  }
0x31: {  	[smem:$0x3FB0] =	sst s10  }
0x32: {  	s10 =	sld [smem:$0x3FAE];
	_ =	sdelay $0x3  }
0x33: {  	p0 =	seq.s32 s10, $0x1;
	s10 =	sld [smem:$0x3FB0];
	_ =	sdelay $0x3  }
0x34: {  	[smem:$0x3FB0] =	sst s10  }
0x35: {  	s10 =	sld [smem:$0x3FAF];
	_ =	sdelay $0x3  }
0x36: {  	p1 =	seq.s32 s10, $0x1;
	s10 =	sld [smem:$0x3FB0];
	_ =	sdelay $0x3  }
0x37: {  	[smem:$0x3FB0] =	sst s10  }
0x38: {  	s10 =	sld [smem:$0x3FB1]  }
0x39: {  	_ = 	snop;
	(pc) =	sbr.ind lr, $3  }
0x3a: {  	_ = 	snop  }
0x3b: {  	_ = 	snop  }
0x3c: {  	p2 =	seq.s32 s10, $0x1;
	s10 =	sld [smem:$0x3FB0]  }
0x3d: {  	_ =	shalt  }
0x3e: {  	_ =	shalt  }
0x3f: {  	_ =	shalt  }
0x40: {  	_ =	shalt  }
0x41: {  	_ =	shalt  }
0x42: {  	_ =	shalt  }
0x43: {  	_ =	shalt  }
0x44: {  	_ =	shalt  }
0x45: {  	_ =	shalt  }
0x46: {  	_ =	shalt  }
0x47: {  	_ =	shalt  }
0x48: {  	_ =	shalt  }
0x49: {  	_ =	shalt  }
0x4a: {  	_ =	shalt  }
0x4b: {  	_ =	shalt  }
0x4c: {  	_ =	shalt  }
0x4d: {  	_ =	shalt  }
0x4e: {  	_ =	shalt  }
0x4f: {  	_ =	shalt  }
0x50: {  	_ =	shalt  }
0x51: {  	_ =	shalt  }
0x52: {  	_ =	shalt  }
0x53: {  	_ =	shalt  }
0x54: {  	_ =	shalt  }
0x55: {  	_ =	shalt  }
0x56: {  	_ =	shalt  }
0x57: {  	_ =	shalt  }
0x58: {  	_ =	shalt  }
0x59: {  	_ =	shalt  }
0x5a: {  	_ =	shalt  }
0x5b: {  	_ =	shalt  }
0x5c: {  	_ =	shalt  }
0x5d: {  	_ =	shalt  }
0x5e: {  	_ =	shalt  }
0x5f: {  	_ =	shalt  }
0x60: {  	_ =	shalt  }
0x61: {  	_ =	shalt  }
0x62: {  	_ =	shalt  }
0x63: {  	_ =	shalt  }
0x64: {  	_ =	shalt  }
0x65: {  	_ =	shalt  }
0x66: {  	_ =	shalt  }
0x67: {  	_ =	shalt  }
0x68: {  	_ =	shalt  }
0x69: {  	_ =	shalt  }
0x6a: {  	_ =	shalt  }
0x6b: {  	_ =	shalt  }
0x6c: {  	_ =	shalt  }
0x6d: {  	_ =	shalt  }
0x6e: {  	_ =	shalt  }
0x6f: {  	_ =	shalt  }
0x70: {  	_ =	shalt  }
0x71: {  	_ =	shalt  }
0x72: {  	_ =	shalt  }
0x73: {  	_ =	shalt  }
0x74: {  	_ =	shalt  }
0x75: {  	_ =	shalt  }
0x76: {  	_ =	shalt  }
0x77: {  	_ =	shalt  }
0x78: {  	_ =	shalt  }
0x79: {  	_ =	shalt  }
0x7a: {  	_ =	shalt  }
0x7b: {  	_ =	shalt  }
0x7c: {  	_ =	shalt  }
0x7d: {  	_ =	shalt  }
0x7e: {  	_ =	shalt  }
0x7f: {  	_ =	shalt  }
0x80: {  	_ =	shalt  }
0x81: {  	_ =	shalt  }
0x82: {  	_ =	shalt  }
0x83: {  	_ =	shalt  }
0x84: {  	_ =	shalt  }
0x85: {  	_ =	shalt  }
0x86: {  	_ =	shalt  }
0x87: {  	_ =	shalt  }
.Lfunc_end0:
.L_simem_size_0:
called_computation.1_lowered:
.L_overlay_start_0:
0x88: {  	s2 =	sld [smem:$0x3FD9]  }
0x89: {  	s3 =	sld [smem:$0x3FFE];
	_ =	sdelay $0x1  }
0x8a: {  	s1 =	srdreg.scid  }
0x8b: {  	s0 =	sand.u32 $0x1, s1  }
0x8c: {  	s15 =	sshll.u32 s0, $0xA;
	s2 =	sadd.s32 s3, s2  }
0x8d: {  	s2 =	sadd.s32 s2, s15  }
0x8e: {  	[smem:$0x3FBC] =	sst s2  }
0x8f: {  	_ = 	snop  }
0x90: {  	s2 =	sld [smem:$0x3FD0];
	_ =	sdelay $0x2  }
0x91: {  	s4 =	simm.s32 $0xA;
	s5 =	simm.s32 $0x10;
	s16 =	sld [smem:$0x3FC6]  }
0x92: {  	[smem:s5], [sflag:s4] =	dma.local [hbm:s2], $0x1  }
0x93: {  	_ =	swait.eq [sflag:s4], $0x1  }
0x94: {  	[sflag:s4] =	ssyncset.done $0x0  }
0x95: {  	s17 =	sld [smem:$0x11];
	[sflag:s4] =	ssyncadd.s32 $0xFFFFFFFF  }
0x96: {  	s18 =	sld [smem:$0x12];
	(tm) =	ssettm $0x1  }
0x97: {  	s19 =	sld [smem:$0x3FFB];
	_ =	sdelay $0x3  }
0x98: {  	_ =	strace s19  }
0x99: {  	s5 =	sld [smem:$0x3FFC];
	_ =	sdelay $0x3  }
0x9a: {  	_ =	strace s5  }
0x9b: {  	s5 =	sld [smem:$0x3FFD];
	_ =	sdelay $0x3  }
0x9c: {  	_ =	strace s5  }
0x9d: {  	_ =	strace $0x8FFFFFFF  }
0x9e: {  	s20 =	sld [smem:$0x3FDB];
	_ =	sdelay $0x1  }
0x9f: {  	s6 =	simm.s32 $_scs_section_size  }
0xa0: {  	s7 =	simm.s32 $_size__tile_overlayer_lowered;
	s8 =	simm.s32 $_tile_overlayer_lowered  }
0xa1: {  	s23 =	simm.s32 $0x1BFF;
	s22 =	sshll.u32 s8, $0x1;
	s5 =	sadd.s32 s6, s20  }
0xa2: {  	s9 =	simm.s32 $0x0;
	s21 =	sshll.u32 s7, $0x1;
	s7 =	sadd.s32 s22, s5  }
0xa3: {  	[timem:s9], [sflag:s23] =	dma.local [hbm:s7], s21  }
0xa4: {  	_ =	swait.ge [sflag:s23], s21  }
0xa5: {  	s6 =	ssub.s32 $0x0, s21;
	[sflag:s23] =	ssyncset.done $0x0  }
0xa6: {  	[sflag:s23] =	ssyncadd.s32 s6;
	_ =	sdelay $0x1  }
0xa7: {  	s24 =	simm.s32 $0x1B8B  }
0xa8: {  	_ =	swait.ge [sflag:s24], $0x1  }
0xa9: {  	[sflag:s24] =	ssyncset.done $0x0  }
0xaa: {  	s25 =	simm.s32 $0x1B8E;
	[sflag:s24] =	ssyncadd.s32 $0xFFFFFFFF  }
0xab: {  	s26 =	simm.s32 $execute0_lowered;
	[smem:$0x3FD2] =	sst s25  }
0xac: {  	s6 =	sshll.u32 s26, $0x1;
	_ =	strace $0x80000049;
	[dreg:$0x1] =	wrdreg $0xFFFFFFFF  }
0xad: {  	s28 =	simm.s32 $_size_execute0_lowered;
	s5 =	sadd.s32 s5, s6;
	[dreg:$0x0] =	wrdreg $0x0  }
0xae: {  	s6 =	sshll.u32 s28, $0x1;
	[dreg:$0x2] =	wrdreg s5  }
0xaf: {  	[dreg:$0x3] =	wrdreg s6  }
0xb0: {  	[dreg:$0x4] =	wrdreg $0xC0  }
0xb1: {  	_ =	task [dreg:s9], $0x5FFFF  }
0xb2: {  	[dreg:$0x1] =	wrdreg $0xFFFFFFFF  }
0xb3: {  	[dreg:$0x0] =	wrdreg $0x60  }
0xb4: {  	[dreg:$0x2] =	wrdreg s18  }
0xb5: {  	[dreg:$0x3] =	wrdreg s16  }
0xb6: {  	[dreg:$0x4] =	wrdreg s17  }
0xb7: {  	[dreg:$0x5] =	wrdreg $0x9  }
0xb8: {  	_ =	task.clear_ibuf [dreg:s9], $0x6FFFF;
	_ =	strace $0x90000049  }
0xb9: {  	s29 =	simm.s32 $0x9;
	_ =	strace $0x8000004B  }
0xba: {  	_ =	swait.ge [sflag:s29], $0x1  }
0xbb: {  	[sflag:s29] =	ssyncadd.s32 $0xFFFFFFFF  }
0xbc: {  	_ =	strace $0x9000004B  }
0xbd: {  	_ =	sfence  }
0xbe: {  	s30 =	sld [smem:$0x0];
	_ =	sdelay $0x2  }
0xbf: {  	s31 =	sshll.u32 s1, $0xD;
	s1 =	sshrl.u32 s1, $0x2  }
0xc0: {  	s3 =	sand.u32 $0x4000, s31;
	s1 =	sadd.s32 s1, s30  }
0xc1: {  	s0 =	sor.u32 s3, s0;
	s1 =	sshll.u32 s1, $0x11  }
0xc2: {  	s0 =	sor.u32 s1, s0  }
0xc3: {  	s0 =	sadd.s32 $0x8F2B, s0  }
0xc4: {  	[sflag:s0] =	ssyncadd.remote.s32 $0x1  }
0xc5: {  	_ =	sfence.sel $0xFFFF  }
0xc6: {  	[dreg:$0x0] =	wrdreg $0xFFFFFFFF;
	(pc) =	sbr.abs _section_cstart, $3  }
0xc7: {  	[dreg:$0x1] =	wrdreg $0xFFFFFFFF  }
0xc8: {  	_ =	task.clear_ibuf [dreg:s9], $0x2FFFF;
	_ =	strace $0x9FFFFFFF  }
0xc9: {  	(tm) =	ssettm $0x7FFFFFFF  }
tec
execute0_lowered:
.L_overlay_start_1:
0x0: {  	(tag) =	ssettag $0x1  }
0x1: {  	s1 =	rddreg [dreg:$0x0];
	s2 =	srdreg.scid  }
0x2: {  	s13 =	rddreg [dreg:$0x1];
	s0 =	stileid.u32;
	s15 =	sand.u32 $0x1, s2  }
0x3: {  	s14 =	rddreg [dreg:$0x2];
	s4 =	sshll.u32 s0, $0xA;
	s5 =	sshll.u32 s15, $0x9  }
0x4: {  	s3 =	simm.s32 $0x0;
	s2 =	rddreg [dreg:$0x3];
	s16 =	sor.u32 s5, s4  }
0x5: {  	[smem:$0x7FF] =	sst s3;
	s4 =	sshrl.u32 s16, $0x3  }
0x6: {  	_ =	strace $0x8000004A;
	s5 =	simm.s32 $0x2;
	s4 =	sadd.s32 s13, s4  }
0x7: {  	[tilespmem:s3], [sflag:$0x2] =	stream.linear.gather [hbm4b:s4+s3], $0x80, $0x38;
	[tilespmem:$0x480] =	vst v63  }
0x8: {  	_ =	swait.ge [sflag:s5], $0x80  }
0x9: {  	[sflag:s5] =	ssyncset.done $0x0  }
0xa: {  	s7 =	simm.s32 $0x80;
	s6 =	sadd.s32 s14, s16;
	[sflag:s5] =	ssyncadd.s32 $0xFFFFFF80  }
0xb: {  	[tilespmem:s7], [sflag:$0x2] =	stream.linear.gather [hbm4b:s6+s3], $0x400, $0x38;
	[tilespmem:$0x480] =	vst v63  }
0xc: {  	_ =	swait.ge [sflag:s5], $0x400  }
0xd: {  	[sflag:s5] =	ssyncset.done $0x0  }
0xe: {  	s8 =	simm.s32 $0x1;
	[sflag:s5] =	ssyncadd.s32 $0xFFFFFC00  }
0xf: {  	[hbm4b:s1+s7] =	stream.indirect.scatter [tilespmem:s7], [sflag:$0x1], $0x8, s3, s7, $0xb8;
	[tilespmem:$0x480] =	vst v63  }
0x10: {  	s10 =	sor.u32 $0x80, s16;
	_ =	swait.ge [sflag:s8], $0x400  }
0x11: {  	s9 =	sshrl.u32 s10, $0x3;
	[sflag:s8] =	ssyncset.done $0x0  }
0x12: {  	s9 =	sadd.s32 s13, s9;
	[sflag:s8] =	ssyncadd.s32 $0xFFFFFC00  }
0x13: {  	[tilespmem:s3], [sflag:$0x2] =	stream.linear.gather [hbm4b:s9+s3], $0x80, $0x38;
	[tilespmem:$0x480] =	vst v63  }
0x14: {  	_ =	swait.ge [sflag:s5], $0x80  }
0x15: {  	[sflag:s5] =	ssyncset.done $0x0  }
0x16: {  	s10 =	sadd.s32 s14, s10;
	[sflag:s5] =	ssyncadd.s32 $0xFFFFFF80  }
0x17: {  	[tilespmem:s7], [sflag:$0x2] =	stream.linear.gather [hbm4b:s10+s3], $0x400, $0x38;
	[tilespmem:$0x480] =	vst v63  }
0x18: {  	_ =	swait.ge [sflag:s5], $0x400  }
0x19: {  	[sflag:s5] =	ssyncset.done $0x0  }
0x1a: {  	[sflag:s5] =	ssyncadd.s32 $0xFFFFFC00  }
0x1b: {  	[hbm4b:s1+s7] =	stream.indirect.scatter [tilespmem:s7], [sflag:$0x1], $0x8, s3, s7, $0xb8;
	[tilespmem:$0x480] =	vst v63  }
0x1c: {  	s12 =	sor.u32 $0x100, s16;
	_ =	swait.ge [sflag:s8], $0x400  }
0x1d: {  	s11 =	sshrl.u32 s12, $0x3;
	[sflag:s8] =	ssyncset.done $0x0  }
0x1e: {  	s11 =	sadd.s32 s13, s11;
	[sflag:s8] =	ssyncadd.s32 $0xFFFFFC00  }
0x1f: {  	[tilespmem:s3], [sflag:$0x2] =	stream.linear.gather [hbm4b:s11+s3], $0x80, $0x38;
	[tilespmem:$0x480] =	vst v63  }
0x20: {  	_ =	swait.ge [sflag:s5], $0x80  }
0x21: {  	[sflag:s5] =	ssyncset.done $0x0  }
0x22: {  	s12 =	sadd.s32 s14, s12;
	[sflag:s5] =	ssyncadd.s32 $0xFFFFFF80  }
0x23: {  	[tilespmem:s7], [sflag:$0x2] =	stream.linear.gather [hbm4b:s12+s3], $0x400, $0x38;
	[tilespmem:$0x480] =	vst v63  }
0x24: {  	_ =	swait.ge [sflag:s5], $0x400  }
0x25: {  	[sflag:s5] =	ssyncset.done $0x0  }
0x26: {  	[sflag:s5] =	ssyncadd.s32 $0xFFFFFC00  }
0x27: {  	[hbm4b:s1+s7] =	stream.indirect.scatter [tilespmem:s7], [sflag:$0x1], $0x8, s3, s7, $0xb8;
	[tilespmem:$0x480] =	vst v63  }
0x28: {  	s16 =	sor.u32 $0x180, s16;
	_ =	swait.ge [sflag:s8], $0x400  }
0x29: {  	s17 =	sshrl.u32 s16, $0x3;
	[sflag:s8] =	ssyncset.done $0x0  }
0x2a: {  	s15 =	ssub.s32 $0x2, s15;
	s13 =	sadd.s32 s13, s17;
	[sflag:s8] =	ssyncadd.s32 $0xFFFFFC00  }
0x2b: {  	[tilespmem:s3], [sflag:$0x2] =	stream.linear.gather [hbm4b:s13+s3], $0x80, $0x38;
	[tilespmem:$0x480] =	vst v63  }
0x2c: {  	s31 =	sshrl.u32 s15, $0x1;
	_ =	swait.ge [sflag:s5], $0x80  }
0x2d: {  	s15 =	ssub.s32 s15, s31;
	[sflag:s5] =	ssyncset.done $0x0  }
0x2e: {  	s14 =	sadd.s32 s14, s16;
	s15 =	smax.u32 s15, $0x1;
	[sflag:s5] =	ssyncadd.s32 $0xFFFFFF80  }
0x2f: {  	[tilespmem:s7], [sflag:$0x2] =	stream.linear.gather [hbm4b:s14+s3], $0x400, $0x38;
	[tilespmem:$0x480] =	vst v63  }
0x30: {  	p0 =	sne.s32 s15, $0x1;
	_ =	swait.ge [sflag:s5], $0x400  }
.Ltmp0:
0x31: {  	[sflag:s5] =	ssyncset.done $0x0;
	(pc) =	sbr.rel @!p0 .LBB2_2-.Ltmp0, $4  }
0x32: {  	[sflag:s5] =	ssyncadd.s32 $0xFFFFFC00  }
0x33: {  	[hbm4b:s1+s7] =	stream.indirect.scatter [tilespmem:s7], [sflag:$0x1], $0x8, s3, s7, $0xb8;
	[tilespmem:$0x480] =	vst v63  }
0x34: {  	_ =	swait.ge [sflag:s8], $0x400  }
0x35: {  	s15 =	sadd.s32 $0xFFFFFFFF, s15;
	[sflag:s8] =	ssyncset.done $0x0  }
.LBB2_1:
0x36: {  	p0 =	sne.s32 s15, $0x1;
	s15 =	sadd.s32 $0xFFFFFFFF, s15;
	[sflag:s8] =	ssyncadd.s32 $0xFFFFFC00  }
0x37: {  	[tilespmem:s3], [sflag:$0x2] =	stream.linear.gather [hbm4b:s4+s3], $0x80, $0x38;
	[tilespmem:$0x480] =	vst v63  }
0x38: {  	_ =	swait.ge [sflag:s5], $0x80  }
0x39: {  	[sflag:s5] =	ssyncset.done $0x0  }
0x3a: {  	[sflag:s5] =	ssyncadd.s32 $0xFFFFFF80  }
0x3b: {  	[tilespmem:s7], [sflag:$0x2] =	stream.linear.gather [hbm4b:s6+s3], $0x400, $0x38;
	[tilespmem:$0x480] =	vst v63  }
0x3c: {  	_ =	swait.ge [sflag:s5], $0x400  }
0x3d: {  	[sflag:s5] =	ssyncset.done $0x0  }
0x3e: {  	[sflag:s5] =	ssyncadd.s32 $0xFFFFFC00  }
0x3f: {  	[hbm4b:s1+s7] =	stream.indirect.scatter [tilespmem:s7], [sflag:$0x1], $0x8, s3, s7, $0xb8;
	[tilespmem:$0x480] =	vst v63  }
0x40: {  	_ =	swait.ge [sflag:s8], $0x400  }
0x41: {  	[sflag:s8] =	ssyncset.done $0x0  }
0x42: {  	[sflag:s8] =	ssyncadd.s32 $0xFFFFFC00  }
0x43: {  	[tilespmem:s3], [sflag:$0x2] =	stream.linear.gather [hbm4b:s9+s3], $0x80, $0x38;
	[tilespmem:$0x480] =	vst v63  }
0x44: {  	_ =	swait.ge [sflag:s5], $0x80  }
0x45: {  	[sflag:s5] =	ssyncset.done $0x0  }
0x46: {  	[sflag:s5] =	ssyncadd.s32 $0xFFFFFF80  }
0x47: {  	[tilespmem:s7], [sflag:$0x2] =	stream.linear.gather [hbm4b:s10+s3], $0x400, $0x38;
	[tilespmem:$0x480] =	vst v63  }
0x48: {  	_ =	swait.ge [sflag:s5], $0x400  }
0x49: {  	[sflag:s5] =	ssyncset.done $0x0  }
0x4a: {  	[sflag:s5] =	ssyncadd.s32 $0xFFFFFC00  }
0x4b: {  	[hbm4b:s1+s7] =	stream.indirect.scatter [tilespmem:s7], [sflag:$0x1], $0x8, s3, s7, $0xb8;
	[tilespmem:$0x480] =	vst v63  }
0x4c: {  	_ =	swait.ge [sflag:s8], $0x400  }
0x4d: {  	[sflag:s8] =	ssyncset.done $0x0  }
0x4e: {  	[sflag:s8] =	ssyncadd.s32 $0xFFFFFC00  }
0x4f: {  	[tilespmem:s3], [sflag:$0x2] =	stream.linear.gather [hbm4b:s11+s3], $0x80, $0x38;
	[tilespmem:$0x480] =	vst v63  }
0x50: {  	_ =	swait.ge [sflag:s5], $0x80  }
0x51: {  	[sflag:s5] =	ssyncset.done $0x0  }
0x52: {  	[sflag:s5] =	ssyncadd.s32 $0xFFFFFF80  }
0x53: {  	[tilespmem:s7], [sflag:$0x2] =	stream.linear.gather [hbm4b:s12+s3], $0x400, $0x38;
	[tilespmem:$0x480] =	vst v63  }
0x54: {  	_ =	swait.ge [sflag:s5], $0x400  }
0x55: {  	[sflag:s5] =	ssyncset.done $0x0  }
0x56: {  	[sflag:s5] =	ssyncadd.s32 $0xFFFFFC00  }
0x57: {  	[hbm4b:s1+s7] =	stream.indirect.scatter [tilespmem:s7], [sflag:$0x1], $0x8, s3, s7, $0xb8;
	[tilespmem:$0x480] =	vst v63  }
0x58: {  	_ =	swait.ge [sflag:s8], $0x400  }
0x59: {  	[sflag:s8] =	ssyncset.done $0x0  }
0x5a: {  	[sflag:s8] =	ssyncadd.s32 $0xFFFFFC00  }
0x5b: {  	[tilespmem:s3], [sflag:$0x2] =	stream.linear.gather [hbm4b:s13+s3], $0x80, $0x38;
	[tilespmem:$0x480] =	vst v63  }
0x5c: {  	_ =	swait.ge [sflag:s5], $0x80  }
0x5d: {  	[sflag:s5] =	ssyncset.done $0x0  }
0x5e: {  	[sflag:s5] =	ssyncadd.s32 $0xFFFFFF80  }
0x5f: {  	[tilespmem:s7], [sflag:$0x2] =	stream.linear.gather [hbm4b:s14+s3], $0x400, $0x38;
	[tilespmem:$0x480] =	vst v63  }
0x60: {  	_ =	swait.ge [sflag:s5], $0x400  }
.Ltmp1:
0x61: {  	[sflag:s5] =	ssyncset.done $0x0;
	(pc) =	sbr.rel @p0 .LBB2_1-.Ltmp1, $4  }
0x62: {  	[sflag:s5] =	ssyncadd.s32 $0xFFFFFC00  }
0x63: {  	[hbm4b:s1+s7] =	stream.indirect.scatter [tilespmem:s7], [sflag:$0x1], $0x8, s3, s7, $0xb8;
	[tilespmem:$0x480] =	vst v63  }
0x64: {  	_ =	swait.ge [sflag:s8], $0x400  }
0x65: {  	[sflag:s8] =	ssyncset.done $0x0  }
.LBB2_2:
0x66: {  	[sflag:s8] =	ssyncadd.s32 $0xFFFFFC00  }
0x67: {  	_ =	sfence.sel $0x180000  }
0x68: {  	[bflag:$0x0] =	sbarrier.arrive $0xFFFF  }
0x69: {  	p0 =	sne.s32 s0, $0x0;
	_ =	strace $0x9000004A  }
0x6a: {  	s0 =	sadd.s32 @!p0 $0x100000, s2;
	[bflag:$0x2] =	sbarrier.arrive $0xFFFF  }
0x6b: {  	[sflag:s0] =	ssyncadd.tile.s32 @!p0 $0x1;
	_ =	shalt  }
.Lfunc_end2:
_tile_overlayer_lowered:
.L_overlay_start_2:
0x6c: {  	(tag) =	ssettag $0x2  }
0x6d: {  	s0 =	rddreg [dreg:$0x0];
	s2 =	stileid.u32  }
0x6e: {  	s1 =	rddreg [dreg:$0x1];
	p0 =	sne.s32 s2, $0x0  }
0x6f: {  	s3 =	rddreg [dreg:$0x2];
	[bflag:$0x3] =	sbarrier.arrive $0xFFFF;
	s2 =	simm.s32 @!p0 $0x1C02  }
0x70: {  	[timem:s3], [sflag:s2] =	dma.local @!p0 [hbm:s0], s1  }
0x71: {  	s0 =	simm.s32 @!p0 $0x2  }
0x72: {  	_ =	swait.ge @!p0 [sflag:s0], s1  }
0x73: {  	s1 =	ssub.s32 @!p0 $0x0, s1;
	[sflag:s0] =	ssyncset.done @!p0 $0x0  }
0x74: {  	[sflag:s0] =	ssyncadd.s32 @!p0 s1  }
0x75: {  	[bflag:$0x3] =	sbarrier.arrive $0xFFFF  }
0x76: {  	_ =	shalt  }

// kernel: kernel.7.cloned.1.call-start
scs
__scs_entry_jumppad:
0x0: {  	(pc) =	sbr.rel $0x88, $3  }
0x1: {  	(tag) =	ssettag $0x0;
	lr =	simm.s32 $0x1  }
0x2: {  	[smem:$0x3F95] =	sst lr;
	_ =	strace $0xD0000000  }
0x3: {  	_ = 	snop  }
0x4: {  	_ = 	snop  }
0x5: {  	_ = 	snop  }
0x6: {  	_ = 	snop  }
0x7: {  	_ = 	snop  }
__scs_overlays_trampoline_lowered:
0x8: {  	[smem:$0x3FA4] =	sst s0  }
0x9: {  	[smem:$0x3FA5] =	sst s1  }
0xa: {  	[smem:$0x3FA6] =	sst s2  }
0xb: {  	[smem:$0x3FA7] =	sst s3  }
0xc: {  	[smem:$0x3FA8] =	sst s4  }
0xd: {  	[smem:$0x3FA9] =	sst s5  }
0xe: {  	[smem:$0x3FAA] =	sst s6  }
0xf: {  	[smem:$0x3FAB] =	sst s7  }
0x10: {  	[smem:$0x3FAC] =	sst s8  }
0x11: {  	[smem:$0x3FAD] =	sst s9;
	s0 =	simm.s32 @!p0 $0x0  }
0x12: {  	s1 =	sld [smem:$0x3F93];
	s0 =	simm.s32 @p0 $0x1  }
0x13: {  	[smem:$0x3FAE] =	sst s0;
	s0 =	simm.s32 @!p1 $0x0  }
0x14: {  	s2 =	sld [smem:$0x3F92];
	s0 =	simm.s32 @p1 $0x1  }
0x15: {  	[smem:$0x3FAF] =	sst s0;
	s0 =	simm.s32 @!p2 $0x0  }
0x16: {  	s3 =	sld [smem:$0x3FDB];
	s0 =	simm.s32 @p2 $0x1  }
0x17: {  	s4 =	simm.s32 $0x1BF5;
	[smem:$0x3FB1] =	sst s0  }
0x18: {  	s0 =	sld [smem:$0x3F94];
	_ =	swait.ge [sflag:s4], $0x0  }
0x19: {  	s7 =	sld [smem:$0x3F95]  }
0x1a: {  	s8 =	sadd.s32 $0xFFFFE003, lr  }
0x1b: {  	s9 =	sadd.s32 $0xFFFFFEF7, lr;
	s5 =	simm.s32 $0xFFFFFFFF;
	p2 =	slt.u32 s8, $0xFFFFF086  }
0x1c: {  	p1 =	slt.u32 s9, $0xF7A;
	s5 =	simm.s32 @!p2 $0x0  }
0x1d: {  	s5 =	simm.s32 @p1 $0x1;
	p0 =	seq.s32 s7, s2  }
0x1e: {  	s7 =	smul.u32 @!p0 $0xF7A, s2;
	p2 =	seq.s32 @!p0 s5, $0x0  }
0x1f: {  	s9 =	smul.u32 $0xF7A, s1;
	s8 =	simm.s32 @!p0 $0x1BF5;
	p2 =	por !p2, p0  }
0x20: {  	[sflag:s8] =	ssyncset.s32 @!p0 $0xFFFFF086;
	s6 =	sadd.s32 @!p0 s3, s7;
	s7 =	simm.s32 @!p0 $0x108  }
0x21: {  	s3 =	sadd.s32 s3, s9;
	s6 =	sadd.s32 @!p0 $0x88, s6;
	s7 =	simm.s32 @p2 $0x1082  }
0x22: {  	[simem:s7], [sflag:s8] =	dma.local @!p0 [hbm:s6], $0xF7A  }
0x23: {  	s9 =	sor.u32 $0xD0000000, s2;
	s6 =	simm.s32 $0x108;
	_ =	swait.ge @!p0 [sflag:s8], $0x0  }
0x24: {  	s3 =	sadd.s32 $0x88, s3;
	s6 =	simm.s32 @!p1 $0x1082;
	[sflag:s4] =	ssyncset.s32 $0xFFFFF086  }
0x25: {  	[simem:s6], [sflag:s4] =	dma.local [hbm:s3], $0xF7A  }
0x26: {  	[smem:$0x3F95] =	sst s1;
	(tag) =	ssettag s2;
	_ =	strace s9  }
0x27: {  	s1 =	sld [smem:$0x3FA5]  }
0x28: {  	s2 =	sld [smem:$0x3FA6]  }
0x29: {  	s4 =	sld [smem:$0x3FA8]  }
0x2a: {  	p0 =	seq.s32 s5, $0x0;
	s5 =	sld [smem:$0x3FA9]  }
0x2b: {  	s6 =	sld [smem:$0x3FAA]  }
0x2c: {  	s7 =	sld [smem:$0x3FAB]  }
0x2d: {  	s3 =	simm.s32 $0x108;
	s8 =	sld [smem:$0x3FAC]  }
0x2e: {  	s3 =	simm.s32 @!p0 $0x1082;
	s9 =	sld [smem:$0x3FAD]  }
0x2f: {  	lr =	sadd.s32 s0, s3;
	s0 =	sld [smem:$0x3FA4]  }
0x30: {  	s3 =	sld [smem:$0x3FA7]  }
0x31: {  	[smem:$0x3FB0] =	sst s10  }
0x32: {  	s10 =	sld [smem:$0x3FAE];
	_ =	sdelay $0x3  }
0x33: {  	p0 =	seq.s32 s10, $0x1;
	s10 =	sld [smem:$0x3FB0];
	_ =	sdelay $0x3  }
0x34: {  	[smem:$0x3FB0] =	sst s10  }
0x35: {  	s10 =	sld [smem:$0x3FAF];
	_ =	sdelay $0x3  }
0x36: {  	p1 =	seq.s32 s10, $0x1;
	s10 =	sld [smem:$0x3FB0];
	_ =	sdelay $0x3  }
0x37: {  	[smem:$0x3FB0] =	sst s10  }
0x38: {  	s10 =	sld [smem:$0x3FB1]  }
0x39: {  	_ = 	snop;
	(pc) =	sbr.ind lr, $3  }
0x3a: {  	_ = 	snop  }
0x3b: {  	_ = 	snop  }
0x3c: {  	p2 =	seq.s32 s10, $0x1;
	s10 =	sld [smem:$0x3FB0]  }
0x3d: {  	_ =	shalt  }
0x3e: {  	_ =	shalt  }
0x3f: {  	_ =	shalt  }
0x40: {  	_ =	shalt  }
0x41: {  	_ =	shalt  }
0x42: {  	_ =	shalt  }
0x43: {  	_ =	shalt  }
0x44: {  	_ =	shalt  }
0x45: {  	_ =	shalt  }
0x46: {  	_ =	shalt  }
0x47: {  	_ =	shalt  }
0x48: {  	_ =	shalt  }
0x49: {  	_ =	shalt  }
0x4a: {  	_ =	shalt  }
0x4b: {  	_ =	shalt  }
0x4c: {  	_ =	shalt  }
0x4d: {  	_ =	shalt  }
0x4e: {  	_ =	shalt  }
0x4f: {  	_ =	shalt  }
0x50: {  	_ =	shalt  }
0x51: {  	_ =	shalt  }
0x52: {  	_ =	shalt  }
0x53: {  	_ =	shalt  }
0x54: {  	_ =	shalt  }
0x55: {  	_ =	shalt  }
0x56: {  	_ =	shalt  }
0x57: {  	_ =	shalt  }
0x58: {  	_ =	shalt  }
0x59: {  	_ =	shalt  }
0x5a: {  	_ =	shalt  }
0x5b: {  	_ =	shalt  }
0x5c: {  	_ =	shalt  }
0x5d: {  	_ =	shalt  }
0x5e: {  	_ =	shalt  }
0x5f: {  	_ =	shalt  }
0x60: {  	_ =	shalt  }
0x61: {  	_ =	shalt  }
0x62: {  	_ =	shalt  }
0x63: {  	_ =	shalt  }
0x64: {  	_ =	shalt  }
0x65: {  	_ =	shalt  }
0x66: {  	_ =	shalt  }
0x67: {  	_ =	shalt  }
0x68: {  	_ =	shalt  }
0x69: {  	_ =	shalt  }
0x6a: {  	_ =	shalt  }
0x6b: {  	_ =	shalt  }
0x6c: {  	_ =	shalt  }
0x6d: {  	_ =	shalt  }
0x6e: {  	_ =	shalt  }
0x6f: {  	_ =	shalt  }
0x70: {  	_ =	shalt  }
0x71: {  	_ =	shalt  }
0x72: {  	_ =	shalt  }
0x73: {  	_ =	shalt  }
0x74: {  	_ =	shalt  }
0x75: {  	_ =	shalt  }
0x76: {  	_ =	shalt  }
0x77: {  	_ =	shalt  }
0x78: {  	_ =	shalt  }
0x79: {  	_ =	shalt  }
0x7a: {  	_ =	shalt  }
0x7b: {  	_ =	shalt  }
0x7c: {  	_ =	shalt  }
0x7d: {  	_ =	shalt  }
0x7e: {  	_ =	shalt  }
0x7f: {  	_ =	shalt  }
0x80: {  	_ =	shalt  }
0x81: {  	_ =	shalt  }
0x82: {  	_ =	shalt  }
0x83: {  	_ =	shalt  }
0x84: {  	_ =	shalt  }
0x85: {  	_ =	shalt  }
0x86: {  	_ =	shalt  }
0x87: {  	_ =	shalt  }
.Lfunc_end0:
.L_simem_size_0:
called_computation_lowered:
.L_overlay_start_0:
0x88: {  	s2 =	sld [smem:$0x3FD9]  }
0x89: {  	s3 =	sld [smem:$0x3FFE];
	_ =	sdelay $0x1  }
0x8a: {  	s1 =	srdreg.scid  }
0x8b: {  	s0 =	sand.u32 $0x1, s1  }
0x8c: {  	s17 =	sshll.u32 s0, $0xA;
	s2 =	sadd.s32 s3, s2  }
0x8d: {  	s2 =	sadd.s32 s2, s17  }
0x8e: {  	[smem:$0x3FBC] =	sst s2  }
0x8f: {  	_ = 	snop  }
0x90: {  	s2 =	sld [smem:$0x3FC6];
	(tm) =	ssettm $0x1  }
0x91: {  	s18 =	sld [smem:$0x3FFB];
	_ =	sdelay $0x3  }
0x92: {  	_ =	strace s18  }
0x93: {  	s3 =	sld [smem:$0x3FFC];
	_ =	sdelay $0x3  }
0x94: {  	_ =	strace s3  }
0x95: {  	s3 =	sld [smem:$0x3FFD];
	_ =	sdelay $0x3  }
0x96: {  	_ =	strace s3  }
0x97: {  	_ =	strace $0x8FFFFFFF  }
0x98: {  	s19 =	sld [smem:$0x3FDB];
	_ =	sdelay $0x1  }
0x99: {  	s4 =	simm.s32 $_scs_section_size  }
0x9a: {  	s5 =	simm.s32 $_size__tile_overlayer_lowered;
	s6 =	simm.s32 $_tile_overlayer_lowered  }
0x9b: {  	s22 =	simm.s32 $0x1BFF;
	s21 =	sshll.u32 s6, $0x1;
	s3 =	sadd.s32 s4, s19  }
0x9c: {  	s7 =	simm.s32 $0x0;
	s20 =	sshll.u32 s5, $0x1;
	s5 =	sadd.s32 s21, s3  }
0x9d: {  	[timem:s7], [sflag:s22] =	dma.local [hbm:s5], s20  }
0x9e: {  	_ =	swait.ge [sflag:s22], s20  }
0x9f: {  	s4 =	ssub.s32 $0x0, s20;
	[sflag:s22] =	ssyncset.done $0x0  }
0xa0: {  	[sflag:s22] =	ssyncadd.s32 s4;
	_ =	sdelay $0x1  }
0xa1: {  	s23 =	simm.s32 $0x1B8B  }
0xa2: {  	_ =	swait.ge [sflag:s23], $0x1  }
0xa3: {  	[sflag:s23] =	ssyncset.done $0x0  }
0xa4: {  	s25 =	simm.s32 $0x1B8E;
	s24 =	sld [smem:$0x3FFE];
	[sflag:s23] =	ssyncadd.s32 $0xFFFFFFFF  }
0xa5: {  	s26 =	simm.s32 $execute0_lowered;
	[smem:$0x3FD2] =	sst s25  }
0xa6: {  	s5 =	sshll.u32 s26, $0x1;
	_ =	strace $0x80000046;
	[dreg:$0x1] =	wrdreg $0xFFFFFFFF  }
0xa7: {  	s28 =	simm.s32 $_size_execute0_lowered;
	s3 =	sadd.s32 s3, s5;
	[dreg:$0x0] =	wrdreg $0x0  }
0xa8: {  	s5 =	sshll.u32 s28, $0x1;
	[dreg:$0x2] =	wrdreg s3  }
0xa9: {  	[dreg:$0x3] =	wrdreg s5  }
0xaa: {  	[dreg:$0x4] =	wrdreg $0xC0  }
0xab: {  	_ =	task [dreg:s7], $0x5FFFF  }
0xac: {  	[dreg:$0x1] =	wrdreg $0xFFFFFFFF  }
0xad: {  	[dreg:$0x0] =	wrdreg $0x60  }
0xae: {  	[dreg:$0x2] =	wrdreg s24  }
0xaf: {  	[dreg:$0x3] =	wrdreg s2  }
0xb0: {  	[dreg:$0x4] =	wrdreg $0x9  }
0xb1: {  	_ =	task.clear_ibuf [dreg:s7], $0x5FFFF;
	_ =	strace $0x90000046  }
0xb2: {  	s29 =	simm.s32 $0x9;
	_ =	strace $0x80000048  }
0xb3: {  	_ =	swait.ge [sflag:s29], $0x1  }
0xb4: {  	[sflag:s29] =	ssyncadd.s32 $0xFFFFFFFF  }
0xb5: {  	_ =	strace $0x90000048  }
0xb6: {  	_ =	sfence  }
0xb7: {  	s30 =	sld [smem:$0x0];
	_ =	sdelay $0x2  }
0xb8: {  	s31 =	sshll.u32 s1, $0xD;
	s1 =	sshrl.u32 s1, $0x2  }
0xb9: {  	s3 =	sand.u32 $0x4000, s31;
	s1 =	sadd.s32 s1, s30  }
0xba: {  	s0 =	sor.u32 s3, s0;
	s1 =	sshll.u32 s1, $0x11  }
0xbb: {  	s0 =	sor.u32 s1, s0  }
0xbc: {  	s0 =	sadd.s32 $0x8F2B, s0  }
0xbd: {  	[sflag:s0] =	ssyncadd.remote.s32 $0x1  }
0xbe: {  	_ =	sfence.sel $0xFFFF  }
0xbf: {  	[dreg:$0x0] =	wrdreg $0xFFFFFFFF;
	(pc) =	sbr.abs _section_cstart, $3  }
0xc0: {  	[dreg:$0x1] =	wrdreg $0xFFFFFFFF  }
0xc1: {  	_ =	task.clear_ibuf [dreg:s7], $0x2FFFF;
	_ =	strace $0x9FFFFFFF  }
0xc2: {  	(tm) =	ssettm $0x7FFFFFFF  }
0xc3: {  	_ =	shalt  }
tec
execute0_lowered:
.L_overlay_start_1:
0x0: {  	(tag) =	ssettag $0x1  }
0x1: {  	s1 =	srdreg.scid  }
0x2: {  	s8 =	rddreg [dreg:$0x0];
	s0 =	stileid.u32;
	s14 =	sand.u32 $0x1, s1  }
0x3: {  	s13 =	rddreg [dreg:$0x1];
	s3 =	sshll.u32 s0, $0xA;
	s4 =	sshll.u32 s14, $0x9  }
0x4: {  	s2 =	simm.s32 $0x0;
	s1 =	rddreg [dreg:$0x2];
	s15 =	sor.u32 s4, s3  }
0x5: {  	[smem:$0x7FF] =	sst s2;
	s3 =	sshrl.u32 s15, $0x3  }
0x6: {  	_ =	strace $0x80000047;
	s4 =	sadd.s32 s13, s3;
	s3 =	simm.s32 $0x2  }
0x7: {  	[tilespmem:s2], [sflag:$0x2] =	stream.linear.gather [hbm4b:s4+s2], $0x80, $0x38;
	[tilespmem:$0x1080] =	vst v63  }
0x8: {  	_ =	swait.ge [sflag:s3], $0x80  }
0x9: {  	s6 =	simm.s32 $0x80;
	[sflag:s3] =	ssyncset.done $0x0  }
0xa: {  	s7 =	simm.s32 $0x1;
	s5 =	sadd.s32 $0xF45E00, s8;
	[sflag:s3] =	ssyncadd.s32 $0xFFFFFF80  }
0xb: {  	[tilespmem:s6], [sflag:$0x1] =	stream.indirect.gather [hbm4b:s5+s6], $0x20, s2, s6, $0xb8;
	[tilespmem:$0x1080] =	vst v63  }
0xc: {  	_ =	swait.ge [sflag:s7], $0x1000  }
0xd: {  	s16 =	sadd.s32 $0x1316800, s8;
	s28 =	sshll.u32 s15, $0x2;
	[sflag:s7] =	ssyncset.done $0x0  }
0xe: {  	s8 =	sadd.s32 s16, s28;
	[sflag:s7] =	ssyncadd.s32 $0xFFFFF000  }
0xf: {  	[hbm4b:s8+s2] =	stream.linear.scatter [tilespmem:s6], [sflag:$0x2], $0x1000, $0x38;
	[tilespmem:$0x1080] =	vst v63  }
0x10: {  	s10 =	sor.u32 $0x80, s15;
	_ =	swait.ge [sflag:s3], $0x1000  }
0x11: {  	s9 =	sshrl.u32 s10, $0x3;
	[sflag:s3] =	ssyncset.done $0x0  }
0x12: {  	s9 =	sadd.s32 s13, s9;
	[sflag:s3] =	ssyncadd.s32 $0xFFFFF000  }
0x13: {  	[tilespmem:s2], [sflag:$0x2] =	stream.linear.gather [hbm4b:s9+s2], $0x80, $0x38;
	[tilespmem:$0x1080] =	vst v63  }
0x14: {  	_ =	swait.ge [sflag:s3], $0x80  }
0x15: {  	[sflag:s3] =	ssyncset.done $0x0  }
0x16: {  	[sflag:s3] =	ssyncadd.s32 $0xFFFFFF80  }
0x17: {  	[tilespmem:s6], [sflag:$0x1] =	stream.indirect.gather [hbm4b:s5+s6], $0x20, s2, s6, $0xb8;
	[tilespmem:$0x1080] =	vst v63  }
0x18: {  	_ =	swait.ge [sflag:s7], $0x1000  }
0x19: {  	s10 =	sshll.u32 s10, $0x2;
	[sflag:s7] =	ssyncset.done $0x0  }
0x1a: {  	s10 =	sadd.s32 s16, s10;
	[sflag:s7] =	ssyncadd.s32 $0xFFFFF000  }
0x1b: {  	[hbm4b:s10+s2] =	stream.linear.scatter [tilespmem:s6], [sflag:$0x2], $0x1000, $0x38;
	[tilespmem:$0x1080] =	vst v63  }
0x1c: {  	s12 =	sor.u32 $0x100, s15;
	_ =	swait.ge [sflag:s3], $0x1000  }
0x1d: {  	s11 =	sshrl.u32 s12, $0x3;
	[sflag:s3] =	ssyncset.done $0x0  }
0x1e: {  	s11 =	sadd.s32 s13, s11;
	[sflag:s3] =	ssyncadd.s32 $0xFFFFF000  }
0x1f: {  	[tilespmem:s2], [sflag:$0x2] =	stream.linear.gather [hbm4b:s11+s2], $0x80, $0x38;
	[tilespmem:$0x1080] =	vst v63  }
0x20: {  	_ =	swait.ge [sflag:s3], $0x80  }
0x21: {  	[sflag:s3] =	ssyncset.done $0x0  }
0x22: {  	[sflag:s3] =	ssyncadd.s32 $0xFFFFFF80  }
0x23: {  	[tilespmem:s6], [sflag:$0x1] =	stream.indirect.gather [hbm4b:s5+s6], $0x20, s2, s6, $0xb8;
	[tilespmem:$0x1080] =	vst v63  }
0x24: {  	_ =	swait.ge [sflag:s7], $0x1000  }
0x25: {  	s12 =	sshll.u32 s12, $0x2;
	[sflag:s7] =	ssyncset.done $0x0  }
0x26: {  	s12 =	sadd.s32 s16, s12;
	[sflag:s7] =	ssyncadd.s32 $0xFFFFF000  }
0x27: {  	[hbm4b:s12+s2] =	stream.linear.scatter [tilespmem:s6], [sflag:$0x2], $0x1000, $0x38;
	[tilespmem:$0x1080] =	vst v63  }
0x28: {  	s15 =	sor.u32 $0x180, s15;
	_ =	swait.ge [sflag:s3], $0x1000  }
0x29: {  	s17 =	sshrl.u32 s15, $0x3;
	[sflag:s3] =	ssyncset.done $0x0  }
0x2a: {  	s14 =	ssub.s32 $0x2, s14;
	s13 =	sadd.s32 s13, s17;
	[sflag:s3] =	ssyncadd.s32 $0xFFFFF000  }
0x2b: {  	[tilespmem:s2], [sflag:$0x2] =	stream.linear.gather [hbm4b:s13+s2], $0x80, $0x38;
	[tilespmem:$0x1080] =	vst v63  }
0x2c: {  	s29 =	sshrl.u32 s14, $0x1;
	_ =	swait.ge [sflag:s3], $0x80  }
0x2d: {  	s17 =	ssub.s32 s14, s29;
	[sflag:s3] =	ssyncset.done $0x0  }
0x2e: {  	s31 =	smax.u32 s17, $0x1;
	[sflag:s3] =	ssyncadd.s32 $0xFFFFFF80  }
0x2f: {  	[tilespmem:s6], [sflag:$0x1] =	stream.indirect.gather [hbm4b:s5+s6], $0x20, s2, s6, $0xb8;
	[tilespmem:$0x1080] =	vst v63  }
0x30: {  	p0 =	sne.s32 s31, $0x1;
	_ =	swait.ge [sflag:s7], $0x1000  }
.Ltmp0:
0x31: {  	s30 =	sshll.u32 s15, $0x2;
	[sflag:s7] =	ssyncset.done $0x0;
	(pc) =	sbr.rel @!p0 .LBB2_2-.Ltmp0, $4  }
0x32: {  	s14 =	sadd.s32 s16, s30;
	[sflag:s7] =	ssyncadd.s32 $0xFFFFF000  }
0x33: {  	[hbm4b:s14+s2] =	stream.linear.scatter [tilespmem:s6], [sflag:$0x2], $0x1000, $0x38;
	[tilespmem:$0x1080] =	vst v63  }
0x34: {  	_ =	swait.ge [sflag:s3], $0x1000  }
0x35: {  	s15 =	sadd.s32 $0xFFFFFFFF, s31;
	[sflag:s3] =	ssyncset.done $0x0  }
.LBB2_1:
0x36: {  	p0 =	sne.s32 s15, $0x1;
	s15 =	sadd.s32 $0xFFFFFFFF, s15;
	[sflag:s3] =	ssyncadd.s32 $0xFFFFF000  }
0x37: {  	[tilespmem:s2], [sflag:$0x2] =	stream.linear.gather [hbm4b:s4+s2], $0x80, $0x38;
	[tilespmem:$0x1080] =	vst v63  }
0x38: {  	_ =	swait.ge [sflag:s3], $0x80  }
0x39: {  	[sflag:s3] =	ssyncset.done $0x0  }
0x3a: {  	[sflag:s3] =	ssyncadd.s32 $0xFFFFFF80  }
0x3b: {  	[tilespmem:s6], [sflag:$0x1] =	stream.indirect.gather [hbm4b:s5+s6], $0x20, s2, s6, $0xb8;
	[tilespmem:$0x1080] =	vst v63  }
0x3c: {  	_ =	swait.ge [sflag:s7], $0x1000  }
0x3d: {  	[sflag:s7] =	ssyncset.done $0x0  }
0x3e: {  	[sflag:s7] =	ssyncadd.s32 $0xFFFFF000  }
0x3f: {  	[hbm4b:s8+s2] =	stream.linear.scatter [tilespmem:s6], [sflag:$0x2], $0x1000, $0x38;
	[tilespmem:$0x1080] =	vst v63  }
0x40: {  	_ =	swait.ge [sflag:s3], $0x1000  }
0x41: {  	[sflag:s3] =	ssyncset.done $0x0  }
0x42: {  	[sflag:s3] =	ssyncadd.s32 $0xFFFFF000  }
0x43: {  	[tilespmem:s2], [sflag:$0x2] =	stream.linear.gather [hbm4b:s9+s2], $0x80, $0x38;
	[tilespmem:$0x1080] =	vst v63  }
0x44: {  	_ =	swait.ge [sflag:s3], $0x80  }
0x45: {  	[sflag:s3] =	ssyncset.done $0x0  }
0x46: {  	[sflag:s3] =	ssyncadd.s32 $0xFFFFFF80  }
0x47: {  	[tilespmem:s6], [sflag:$0x1] =	stream.indirect.gather [hbm4b:s5+s6], $0x20, s2, s6, $0xb8;
	[tilespmem:$0x1080] =	vst v63  }
0x48: {  	_ =	swait.ge [sflag:s7], $0x1000  }
0x49: {  	[sflag:s7] =	ssyncset.done $0x0  }
0x4a: {  	[sflag:s7] =	ssyncadd.s32 $0xFFFFF000  }
0x4b: {  	[hbm4b:s10+s2] =	stream.linear.scatter [tilespmem:s6], [sflag:$0x2], $0x1000, $0x38;
	[tilespmem:$0x1080] =	vst v63  }
0x4c: {  	_ =	swait.ge [sflag:s3], $0x1000  }
0x4d: {  	[sflag:s3] =	ssyncset.done $0x0  }
0x4e: {  	[sflag:s3] =	ssyncadd.s32 $0xFFFFF000  }
0x4f: {  	[tilespmem:s2], [sflag:$0x2] =	stream.linear.gather [hbm4b:s11+s2], $0x80, $0x38;
	[tilespmem:$0x1080] =	vst v63  }
0x50: {  	_ =	swait.ge [sflag:s3], $0x80  }
0x51: {  	[sflag:s3] =	ssyncset.done $0x0  }
0x52: {  	[sflag:s3] =	ssyncadd.s32 $0xFFFFFF80  }
0x53: {  	[tilespmem:s6], [sflag:$0x1] =	stream.indirect.gather [hbm4b:s5+s6], $0x20, s2, s6, $0xb8;
	[tilespmem:$0x1080] =	vst v63  }
0x54: {  	_ =	swait.ge [sflag:s7], $0x1000  }
0x55: {  	[sflag:s7] =	ssyncset.done $0x0  }
0x56: {  	[sflag:s7] =	ssyncadd.s32 $0xFFFFF000  }
0x57: {  	[hbm4b:s12+s2] =	stream.linear.scatter [tilespmem:s6], [sflag:$0x2], $0x1000, $0x38;
	[tilespmem:$0x1080] =	vst v63  }
0x58: {  	_ =	swait.ge [sflag:s3], $0x1000  }
0x59: {  	[sflag:s3] =	ssyncset.done $0x0  }
0x5a: {  	[sflag:s3] =	ssyncadd.s32 $0xFFFFF000  }
0x5b: {  	[tilespmem:s2], [sflag:$0x2] =	stream.linear.gather [hbm4b:s13+s2], $0x80, $0x38;
	[tilespmem:$0x1080] =	vst v63  }
0x5c: {  	_ =	swait.ge [sflag:s3], $0x80  }
0x5d: {  	[sflag:s3] =	ssyncset.done $0x0  }
0x5e: {  	[sflag:s3] =	ssyncadd.s32 $0xFFFFFF80  }
0x5f: {  	[tilespmem:s6], [sflag:$0x1] =	stream.indirect.gather [hbm4b:s5+s6], $0x20, s2, s6, $0xb8;
	[tilespmem:$0x1080] =	vst v63  }
0x60: {  	_ =	swait.ge [sflag:s7], $0x1000  }
.Ltmp1:
0x61: {  	[sflag:s7] =	ssyncset.done $0x0;
	(pc) =	sbr.rel @p0 .LBB2_1-.Ltmp1, $4  }
0x62: {  	[sflag:s7] =	ssyncadd.s32 $0xFFFFF000  }
0x63: {  	[hbm4b:s14+s2] =	stream.linear.scatter [tilespmem:s6], [sflag:$0x2], $0x1000, $0x38;
	[tilespmem:$0x1080] =	vst v63  }
0x64: {  	_ =	swait.ge [sflag:s3], $0x1000  }
0x65: {  	[sflag:s3] =	ssyncset.done $0x0  }
.LBB2_2:
0x66: {  	[sflag:s3] =	ssyncadd.s32 $0xFFFFF000  }
0x67: {  	_ =	sfence.sel $0x180000  }
0x68: {  	[bflag:$0x0] =	sbarrier.arrive $0xFFFF  }
0x69: {  	p0 =	sne.s32 s0, $0x0;
	_ =	strace $0x90000047  }
0x6a: {  	s0 =	sadd.s32 @!p0 $0x100000, s1;
	[bflag:$0x2] =	sbarrier.arrive $0xFFFF  }
0x6b: {  	[sflag:s0] =	ssyncadd.tile.s32 @!p0 $0x1;
	_ =	shalt  }
.Lfunc_end2:
_tile_overlayer_lowered:
.L_overlay_start_2:
0x6c: {  	(tag) =	ssettag $0x2  }
0x6d: {  	s0 =	rddreg [dreg:$0x0];
	s2 =	stileid.u32  }
0x6e: {  	s1 =	rddreg [dreg:$0x1];
	p0 =	sne.s32 s2, $0x0  }
0x6f: {  	s3 =	rddreg [dreg:$0x2];
	[bflag:$0x3] =	sbarrier.arrive $0xFFFF;
	s2 =	simm.s32 @!p0 $0x1C02  }
0x70: {  	[timem:s3], [sflag:s2] =	dma.local @!p0 [hbm:s0], s1  }
0x71: {  	s0 =	simm.s32 @!p0 $0x2  }
0x72: {  	_ =	swait.ge @!p0 [sflag:s0], s1  }
0x73: {  	s1 =	ssub.s32 @!p0 $0x0, s1;
	[sflag:s0] =	ssyncset.done @!p0 $0x0  }
0x74: {  	[sflag:s0] =	ssyncadd.s32 @!p0 s1  }
0x75: {  	[bflag:$0x3] =	sbarrier.arrive $0xFFFF  }
0x76: {  	_ =	shalt  }

</sc_bundles>
